<compile_context>
chip_gen: v7x
topology: tpu7x:2x2x1
jax: 0.10.2.dev20260603
libtpu: 0.0.44.dev20260713+nightly
codegen_flags: <defaults>
</compile_context>

<pallas_src>
import functools

import jax
import jax.numpy as jnp
from jax import lax
from jax.experimental import pallas as pl
from jax.experimental.pallas import tpu as pltpu
from jax.experimental.pallas import tpu_sc as plsc

QL = 1000
D = 192
LAT = 32
B = 4096 * 50
NC, NS = 2, 16
NW = NC * NS
ROWS_PER_W = B // NW
CHUNK = 128
NSTEP = ROWS_PER_W // CHUNK


def _act_body(table_ref, qs_ref, dz_ref, rh_ref, th_ref, rs_ref, ts_ref):
    t = table_ref[...]
    qs_ref[...] = jax.nn.softplus(t[:, 0 * LAT:1 * LAT])
    dz_ref[...] = jax.nn.softplus(t[:, 1 * LAT:2 * LAT])
    rh_ref[...] = jax.nn.sigmoid(t[:, 2 * LAT:3 * LAT])
    th_ref[...] = jax.nn.sigmoid(t[:, 3 * LAT:4 * LAT])
    rs_ref[...] = jax.nn.sigmoid(t[:, 4 * LAT:5 * LAT])
    ts_ref[...] = jax.nn.sigmoid(t[:, 5 * LAT:6 * LAT])


_act_tables = pl.pallas_call(
    _act_body,
    out_shape=tuple(
        jax.ShapeDtypeStruct((QL, LAT), jnp.float32) for _ in range(6)
    ),
)


def _sc_gather(ids_hbm, table_hbm, t0, t1, t2, t3, t4, t5,
               x_out, o0, o1, o2, o3, o4, o5,
               idx_v, rows_v, b0, b1, b2, b3, b4, b5, sem):
    wid = lax.axis_index("s") * NC + lax.axis_index("c")
    base = wid * ROWS_PER_W
    acts = ((t0, b0, o0), (t1, b1, o1), (t2, b2, o2),
            (t3, b3, o3), (t4, b4, o4), (t5, b5, o5))

    def step(i, carry):
        off = base + i * CHUNK
        pltpu.sync_copy(ids_hbm.at[pl.ds(off, CHUNK)], idx_v)
        pltpu.async_copy(table_hbm.at[idx_v], rows_v, sem).wait()
        pltpu.sync_copy(rows_v, x_out.at[pl.ds(off, CHUNK)])
        for t, b, o in acts:
            pltpu.async_copy(t.at[idx_v], b, sem).wait()
            pltpu.sync_copy(b, o.at[pl.ds(off, CHUNK)])
        return carry

    lax.fori_loop(0, NSTEP, step, 0)


_gather = functools.partial(
    pl.kernel,
    out_type=(
        jax.ShapeDtypeStruct((B, D), jnp.float32),
        *(jax.ShapeDtypeStruct((B, LAT), jnp.float32) for _ in range(6)),
    ),
    mesh=plsc.VectorSubcoreMesh(core_axis_name="c", subcore_axis_name="s"),
    compiler_params=pltpu.CompilerParams(use_tc_tiling_on_sc=False),
    scratch_types=[
        pltpu.VMEM((CHUNK,), jnp.int32),
        pltpu.VMEM((CHUNK, D), jnp.float32),
        *(pltpu.VMEM((CHUNK, LAT), jnp.float32) for _ in range(6)),
        pltpu.SemaphoreType.DMA,
    ],
)(_sc_gather)


def kernel(quant_ids, table):
    ids = quant_ids.reshape(-1)
    acts = _act_tables(table)
    x, qs, dz, rh, th, rs, ts = _gather(ids, table, *acts)
    s = quant_ids.shape
    return (
        x.reshape(*s, D),
        qs.reshape(*s, LAT),
        dz.reshape(*s, LAT),
        rh.reshape(*s, LAT),
        th.reshape(*s, LAT),
        rs.reshape(*s, LAT),
        ts.reshape(*s, LAT),
    )

# --- scband reference (transcript-rebuilt; emitter-appended) ---
"""Pipeline reference for scband-statistical-model-18657337934519 (READ-ONLY COPY).

The authoritative reference and input builder live on the scoring server;
editing this copy changes nothing except your own understanding.
"""

import jax, jax.numpy as jnp
import numpy as np

QUANT_LEVELS = 1000
LATENT_DIM = 32
EMBED_DIM = 6 * LATENT_DIM


def setup_inputs(seed: int = 0) -> dict:
    key = jax.random.key(seed)
    k1, k2 = jax.random.split(key)
    quant_ids = jax.random.randint(k1, (4096, 50), 0, QUANT_LEVELS, dtype=jnp.int32)
    # nn.Embedding default init is N(0, 1)
    table = jax.random.normal(k2, (QUANT_LEVELS, EMBED_DIM), dtype=jnp.float32)
    return {"quant_ids": quant_ids, "table": table}


def reference(quant_ids, table):
    d = LATENT_DIM
    x = jnp.take(table, quant_ids, axis=0)
    quant_scale = jax.nn.softplus(x[..., 0 * d:1 * d])
    dead_zone = jax.nn.softplus(x[..., 1 * d:2 * d])
    r_hard = jax.nn.sigmoid(x[..., 2 * d:3 * d])
    theta_hard = jax.nn.sigmoid(x[..., 3 * d:4 * d])
    r_soft = jax.nn.sigmoid(x[..., 4 * d:5 * d])
    theta_soft = jax.nn.sigmoid(x[..., 5 * d:6 * d])
    return (x, quant_scale, dead_zone, r_hard, theta_hard, r_soft, theta_soft)

if __name__ == "__main__":
    import jax
    _d = setup_inputs()
    print(jax.jit(kernel)(*tuple(_d.values())))

</pallas_src>

<mosaic_0001>
#map = affine_map<(d0, d1) -> (0)>
#map1 = affine_map<(d0, d1) -> (0, 0)>
module attributes {stable_mosaic.version = 14 : i64} {
  func.func @_sc_gather(%arg0: i32, %arg1: i32, %arg2: memref<204800xi32, #tpu.memory_space<hbm>>, %arg3: memref<1000x192xf32, #tpu.memory_space<hbm>>, %arg4: memref<1000x32xf32, #tpu.memory_space<hbm>>, %arg5: memref<1000x32xf32, #tpu.memory_space<hbm>>, %arg6: memref<1000x32xf32, #tpu.memory_space<hbm>>, %arg7: memref<1000x32xf32, #tpu.memory_space<hbm>>, %arg8: memref<1000x32xf32, #tpu.memory_space<hbm>>, %arg9: memref<1000x32xf32, #tpu.memory_space<hbm>>, %arg10: memref<204800x192xf32, #tpu.memory_space<hbm>>, %arg11: memref<204800x32xf32, #tpu.memory_space<hbm>>, %arg12: memref<204800x32xf32, #tpu.memory_space<hbm>>, %arg13: memref<204800x32xf32, #tpu.memory_space<hbm>>, %arg14: memref<204800x32xf32, #tpu.memory_space<hbm>>, %arg15: memref<204800x32xf32, #tpu.memory_space<hbm>>, %arg16: memref<204800x32xf32, #tpu.memory_space<hbm>>, %arg17: memref<128xi32, #tpu.memory_space<vmem>>, %arg18: memref<128x192xf32, #tpu.memory_space<vmem>>, %arg19: memref<128x32xf32, #tpu.memory_space<vmem>>, %arg20: memref<128x32xf32, #tpu.memory_space<vmem>>, %arg21: memref<128x32xf32, #tpu.memory_space<vmem>>, %arg22: memref<128x32xf32, #tpu.memory_space<vmem>>, %arg23: memref<128x32xf32, #tpu.memory_space<vmem>>, %arg24: memref<128x32xf32, #tpu.memory_space<vmem>>, %arg25: memref<!tpu.dma_semaphore, #tpu.memory_space<semaphore_mem>>) attributes {dimension_semantics = [#tpu.dimension_semantics<core_parallel>, #tpu.dimension_semantics<subcore_parallel>], iteration_bounds = array<i64: 2, 16>, scalar_prefetch = 0 : i64, scratch_operands = 9 : i64, tpu.core_type = #tpu.core_type<sc_vector_subcore>, window_params = [{transform_indices = #map}, {transform_indices = #map1}, {transform_indices = #map1}, {transform_indices = #map1}, {transform_indices = #map1}, {transform_indices = #map1}, {transform_indices = #map1}, {transform_indices = #map1}, {transform_indices = #map1}, {transform_indices = #map1}, {transform_indices = #map1}, {transform_indices = #map1}, {transform_indices = #map1}, {transform_indices = #map1}, {transform_indices = #map1}]} {
    %mul3A = arith.constant 2 : i32
    %mul3A_0 = arith.muli %arg1, %mul3A : i32
    %add3A = arith.addi %mul3A_0, %arg0 : i32
    %mul3A_1 = arith.constant 6400 : i32
    %mul3A_2 = arith.muli %add3A, %mul3A_1 : i32
    %scan3A = arith.constant 0 : i32
    %scan3A_3 = arith.constant 0 : i32
    %scan3A_4 = arith.constant 50 : i32
    %scan3A_5 = arith.addi %scan3A_3, %scan3A_4 : i32
    %scan3A_6 = arith.constant 1 : i32
    scf.for %scan3A_8 = %scan3A_3 to %scan3A_5 step %scan3A_6  : i32 {
      %mul3A_9 = arith.constant 128 : i32
      %mul3A_10 = arith.muli %scan3A_8, %mul3A_9 : i32
      %add3A_11 = arith.addi %mul3A_2, %mul3A_10 : i32
      "tpu.region"() ({
        %run_scoped3A = tpu.sem_alloc : memref<!tpu.dma_semaphore, #tpu.memory_space<semaphore_mem>>
        %dma_start3A_52 = tpu.memref_slice %arg2[%add3A_11] : memref<204800xi32, #tpu.memory_space<hbm>> -> memref<128xi32, #tpu.memory_space<hbm>>
        %dma_start3A_53 = tpu.memref_slice %arg2[%add3A_11] : memref<204800xi32, #tpu.memory_space<hbm>> -> memref<128xi32, #tpu.memory_space<hbm>>
        tpu.enqueue_dma source(%dma_start3A_53 : memref<128xi32, #tpu.memory_space<hbm>>) target(%arg17 : memref<128xi32, #tpu.memory_space<vmem>>) target_semaphore(%run_scoped3A : memref<!tpu.dma_semaphore, #tpu.memory_space<semaphore_mem>>)
        %dma_wait3A_54 = tpu.memref_slice %arg2[%add3A_11] : memref<204800xi32, #tpu.memory_space<hbm>> -> memref<128xi32, #tpu.memory_space<hbm>>
        %dma_wait3A_55 = tpu.memref_slice %arg2[%add3A_11] : memref<204800xi32, #tpu.memory_space<hbm>> -> memref<128xi32, #tpu.memory_space<hbm>>
        tpu.wait_dma2 semaphore(%run_scoped3A : memref<!tpu.dma_semaphore, #tpu.memory_space<semaphore_mem>>) src(%dma_wait3A_55 : memref<128xi32, #tpu.memory_space<hbm>>) dst(%arg17 : memref<128xi32, #tpu.memory_space<vmem>>)
        tpu.yield
      }) : () -> ()
      %dma_start3A = arith.constant 0 : i32
      %dma_start3A_12 = arith.constant 0 : i32
      %dma_start3A_13 = tpu.memref_slice %arg3[%dma_start3A, %dma_start3A_12] : memref<1000x192xf32, #tpu.memory_space<hbm>> -> memref<1000x192xf32, #tpu.memory_space<hbm>>
      tpu.enqueue_indirect_dma source(%dma_start3A_13 : memref<1000x192xf32, #tpu.memory_space<hbm>>) target(%arg18 : memref<128x192xf32, #tpu.memory_space<vmem>>) offsets(%arg17 : memref<128xi32, #tpu.memory_space<vmem>>) semaphore(%arg25 : memref<!tpu.dma_semaphore, #tpu.memory_space<semaphore_mem>>)
      %dma_wait3A = arith.constant 0 : i32
      %dma_wait3A_14 = arith.constant 0 : i32
      %dma_wait3A_15 = tpu.memref_slice %arg3[%dma_wait3A, %dma_wait3A_14] : memref<1000x192xf32, #tpu.memory_space<hbm>> -> memref<1000x192xf32, #tpu.memory_space<hbm>>
      tpu.wait_indirect_dma semaphore(%arg25 : memref<!tpu.dma_semaphore, #tpu.memory_space<semaphore_mem>>) src(%dma_wait3A_15 : memref<1000x192xf32, #tpu.memory_space<hbm>>) dst(%arg18 : memref<128x192xf32, #tpu.memory_space<vmem>>)
      "tpu.region"() ({
        %run_scoped3A = tpu.sem_alloc : memref<!tpu.dma_semaphore, #tpu.memory_space<semaphore_mem>>
        %dma_start3A_52 = arith.constant 0 : i32
        %dma_start3A_53 = tpu.memref_slice %arg10[%add3A_11, %dma_start3A_52] : memref<204800x192xf32, #tpu.memory_space<hbm>> -> memref<128x192xf32, #tpu.memory_space<hbm>>
        %dma_start3A_54 = arith.constant 0 : i32
        %dma_start3A_55 = tpu.memref_slice %arg10[%add3A_11, %dma_start3A_54] : memref<204800x192xf32, #tpu.memory_space<hbm>> -> memref<128x192xf32, #tpu.memory_space<hbm>>
        tpu.enqueue_dma source(%arg18 : memref<128x192xf32, #tpu.memory_space<vmem>>) target(%dma_start3A_55 : memref<128x192xf32, #tpu.memory_space<hbm>>) target_semaphore(%run_scoped3A : memref<!tpu.dma_semaphore, #tpu.memory_space<semaphore_mem>>)
        %dma_wait3A_56 = arith.constant 0 : i32
        %dma_wait3A_57 = tpu.memref_slice %arg10[%add3A_11, %dma_wait3A_56] : memref<204800x192xf32, #tpu.memory_space<hbm>> -> memref<128x192xf32, #tpu.memory_space<hbm>>
        %dma_wait3A_58 = arith.constant 0 : i32
        %dma_wait3A_59 = tpu.memref_slice %arg10[%add3A_11, %dma_wait3A_58] : memref<204800x192xf32, #tpu.memory_space<hbm>> -> memref<128x192xf32, #tpu.memory_space<hbm>>
        tpu.wait_dma2 semaphore(%run_scoped3A : memref<!tpu.dma_semaphore, #tpu.memory_space<semaphore_mem>>) src(%arg18 : memref<128x192xf32, #tpu.memory_space<vmem>>) dst(%dma_wait3A_59 : memref<128x192xf32, #tpu.memory_space<hbm>>)
        tpu.yield
      }) : () -> ()
      %dma_start3A_16 = arith.constant 0 : i32
      %dma_start3A_17 = arith.constant 0 : i32
      %dma_start3A_18 = tpu.memref_slice %arg4[%dma_start3A_16, %dma_start3A_17] : memref<1000x32xf32, #tpu.memory_space<hbm>> -> memref<1000x32xf32, #tpu.memory_space<hbm>>
      tpu.enqueue_indirect_dma source(%dma_start3A_18 : memref<1000x32xf32, #tpu.memory_space<hbm>>) target(%arg19 : memref<128x32xf32, #tpu.memory_space<vmem>>) offsets(%arg17 : memref<128xi32, #tpu.memory_space<vmem>>) semaphore(%arg25 : memref<!tpu.dma_semaphore, #tpu.memory_space<semaphore_mem>>)
      %dma_wait3A_19 = arith.constant 0 : i32
      %dma_wait3A_20 = arith.constant 0 : i32
      %dma_wait3A_21 = tpu.memref_slice %arg4[%dma_wait3A_19, %dma_wait3A_20] : memref<1000x32xf32, #tpu.memory_space<hbm>> -> memref<1000x32xf32, #tpu.memory_space<hbm>>
      tpu.wait_indirect_dma semaphore(%arg25 : memref<!tpu.dma_semaphore, #tpu.memory_space<semaphore_mem>>) src(%dma_wait3A_21 : memref<1000x32xf32, #tpu.memory_space<hbm>>) dst(%arg19 : memref<128x32xf32, #tpu.memory_space<vmem>>)
      "tpu.region"() ({
        %run_scoped3A = tpu.sem_alloc : memref<!tpu.dma_semaphore, #tpu.memory_space<semaphore_mem>>
        %dma_start3A_52 = arith.constant 0 : i32
        %dma_start3A_53 = tpu.memref_slice %arg11[%add3A_11, %dma_start3A_52] : memref<204800x32xf32, #tpu.memory_space<hbm>> -> memref<128x32xf32, #tpu.memory_space<hbm>>
        %dma_start3A_54 = arith.constant 0 : i32
        %dma_start3A_55 = tpu.memref_slice %arg11[%add3A_11, %dma_start3A_54] : memref<204800x32xf32, #tpu.memory_space<hbm>> -> memref<128x32xf32, #tpu.memory_space<hbm>>
        tpu.enqueue_dma source(%arg19 : memref<128x32xf32, #tpu.memory_space<vmem>>) target(%dma_start3A_55 : memref<128x32xf32, #tpu.memory_space<hbm>>) target_semaphore(%run_scoped3A : memref<!tpu.dma_semaphore, #tpu.memory_space<semaphore_mem>>)
        %dma_wait3A_56 = arith.constant 0 : i32
        %dma_wait3A_57 = tpu.memref_slice %arg11[%add3A_11, %dma_wait3A_56] : memref<204800x32xf32, #tpu.memory_space<hbm>> -> memref<128x32xf32, #tpu.memory_space<hbm>>
        %dma_wait3A_58 = arith.constant 0 : i32
        %dma_wait3A_59 = tpu.memref_slice %arg11[%add3A_11, %dma_wait3A_58] : memref<204800x32xf32, #tpu.memory_space<hbm>> -> memref<128x32xf32, #tpu.memory_space<hbm>>
        tpu.wait_dma2 semaphore(%run_scoped3A : memref<!tpu.dma_semaphore, #tpu.memory_space<semaphore_mem>>) src(%arg19 : memref<128x32xf32, #tpu.memory_space<vmem>>) dst(%dma_wait3A_59 : memref<128x32xf32, #tpu.memory_space<hbm>>)
        tpu.yield
      }) : () -> ()
      %dma_start3A_22 = arith.constant 0 : i32
      %dma_start3A_23 = arith.constant 0 : i32
      %dma_start3A_24 = tpu.memref_slice %arg5[%dma_start3A_22, %dma_start3A_23] : memref<1000x32xf32, #tpu.memory_space<hbm>> -> memref<1000x32xf32, #tpu.memory_space<hbm>>
      tpu.enqueue_indirect_dma source(%dma_start3A_24 : memref<1000x32xf32, #tpu.memory_space<hbm>>) target(%arg20 : memref<128x32xf32, #tpu.memory_space<vmem>>) offsets(%arg17 : memref<128xi32, #tpu.memory_space<vmem>>) semaphore(%arg25 : memref<!tpu.dma_semaphore, #tpu.memory_space<semaphore_mem>>)
      %dma_wait3A_25 = arith.constant 0 : i32
      %dma_wait3A_26 = arith.constant 0 : i32
      %dma_wait3A_27 = tpu.memref_slice %arg5[%dma_wait3A_25, %dma_wait3A_26] : memref<1000x32xf32, #tpu.memory_space<hbm>> -> memref<1000x32xf32, #tpu.memory_space<hbm>>
      tpu.wait_indirect_dma semaphore(%arg25 : memref<!tpu.dma_semaphore, #tpu.memory_space<semaphore_mem>>) src(%dma_wait3A_27 : memref<1000x32xf32, #tpu.memory_space<hbm>>) dst(%arg20 : memref<128x32xf32, #tpu.memory_space<vmem>>)
      "tpu.region"() ({
        %run_scoped3A = tpu.sem_alloc : memref<!tpu.dma_semaphore, #tpu.memory_space<semaphore_mem>>
        %dma_start3A_52 = arith.constant 0 : i32
        %dma_start3A_53 = tpu.memref_slice %arg12[%add3A_11, %dma_start3A_52] : memref<204800x32xf32, #tpu.memory_space<hbm>> -> memref<128x32xf32, #tpu.memory_space<hbm>>
        %dma_start3A_54 = arith.constant 0 : i32
        %dma_start3A_55 = tpu.memref_slice %arg12[%add3A_11, %dma_start3A_54] : memref<204800x32xf32, #tpu.memory_space<hbm>> -> memref<128x32xf32, #tpu.memory_space<hbm>>
        tpu.enqueue_dma source(%arg20 : memref<128x32xf32, #tpu.memory_space<vmem>>) target(%dma_start3A_55 : memref<128x32xf32, #tpu.memory_space<hbm>>) target_semaphore(%run_scoped3A : memref<!tpu.dma_semaphore, #tpu.memory_space<semaphore_mem>>)
        %dma_wait3A_56 = arith.constant 0 : i32
        %dma_wait3A_57 = tpu.memref_slice %arg12[%add3A_11, %dma_wait3A_56] : memref<204800x32xf32, #tpu.memory_space<hbm>> -> memref<128x32xf32, #tpu.memory_space<hbm>>
        %dma_wait3A_58 = arith.constant 0 : i32
        %dma_wait3A_59 = tpu.memref_slice %arg12[%add3A_11, %dma_wait3A_58] : memref<204800x32xf32, #tpu.memory_space<hbm>> -> memref<128x32xf32, #tpu.memory_space<hbm>>
        tpu.wait_dma2 semaphore(%run_scoped3A : memref<!tpu.dma_semaphore, #tpu.memory_space<semaphore_mem>>) src(%arg20 : memref<128x32xf32, #tpu.memory_space<vmem>>) dst(%dma_wait3A_59 : memref<128x32xf32, #tpu.memory_space<hbm>>)
        tpu.yield
      }) : () -> ()
      %dma_start3A_28 = arith.constant 0 : i32
      %dma_start3A_29 = arith.constant 0 : i32
      %dma_start3A_30 = tpu.memref_slice %arg6[%dma_start3A_28, %dma_start3A_29] : memref<1000x32xf32, #tpu.memory_space<hbm>> -> memref<1000x32xf32, #tpu.memory_space<hbm>>
      tpu.enqueue_indirect_dma source(%dma_start3A_30 : memref<1000x32xf32, #tpu.memory_space<hbm>>) target(%arg21 : memref<128x32xf32, #tpu.memory_space<vmem>>) offsets(%arg17 : memref<128xi32, #tpu.memory_space<vmem>>) semaphore(%arg25 : memref<!tpu.dma_semaphore, #tpu.memory_space<semaphore_mem>>)
      %dma_wait3A_31 = arith.constant 0 : i32
      %dma_wait3A_32 = arith.constant 0 : i32
      %dma_wait3A_33 = tpu.memref_slice %arg6[%dma_wait3A_31, %dma_wait3A_32] : memref<1000x32xf32, #tpu.memory_space<hbm>> -> memref<1000x32xf32, #tpu.memory_space<hbm>>
      tpu.wait_indirect_dma semaphore(%arg25 : memref<!tpu.dma_semaphore, #tpu.memory_space<semaphore_mem>>) src(%dma_wait3A_33 : memref<1000x32xf32, #tpu.memory_space<hbm>>) dst(%arg21 : memref<128x32xf32, #tpu.memory_space<vmem>>)
      "tpu.region"() ({
        %run_scoped3A = tpu.sem_alloc : memref<!tpu.dma_semaphore, #tpu.memory_space<semaphore_mem>>
        %dma_start3A_52 = arith.constant 0 : i32
        %dma_start3A_53 = tpu.memref_slice %arg13[%add3A_11, %dma_start3A_52] : memref<204800x32xf32, #tpu.memory_space<hbm>> -> memref<128x32xf32, #tpu.memory_space<hbm>>
        %dma_start3A_54 = arith.constant 0 : i32
        %dma_start3A_55 = tpu.memref_slice %arg13[%add3A_11, %dma_start3A_54] : memref<204800x32xf32, #tpu.memory_space<hbm>> -> memref<128x32xf32, #tpu.memory_space<hbm>>
        tpu.enqueue_dma source(%arg21 : memref<128x32xf32, #tpu.memory_space<vmem>>) target(%dma_start3A_55 : memref<128x32xf32, #tpu.memory_space<hbm>>) target_semaphore(%run_scoped3A : memref<!tpu.dma_semaphore, #tpu.memory_space<semaphore_mem>>)
        %dma_wait3A_56 = arith.constant 0 : i32
        %dma_wait3A_57 = tpu.memref_slice %arg13[%add3A_11, %dma_wait3A_56] : memref<204800x32xf32, #tpu.memory_space<hbm>> -> memref<128x32xf32, #tpu.memory_space<hbm>>
        %dma_wait3A_58 = arith.constant 0 : i32
        %dma_wait3A_59 = tpu.memref_slice %arg13[%add3A_11, %dma_wait3A_58] : memref<204800x32xf32, #tpu.memory_space<hbm>> -> memref<128x32xf32, #tpu.memory_space<hbm>>
        tpu.wait_dma2 semaphore(%run_scoped3A : memref<!tpu.dma_semaphore, #tpu.memory_space<semaphore_mem>>) src(%arg21 : memref<128x32xf32, #tpu.memory_space<vmem>>) dst(%dma_wait3A_59 : memref<128x32xf32, #tpu.memory_space<hbm>>)
        tpu.yield
      }) : () -> ()
      %dma_start3A_34 = arith.constant 0 : i32
      %dma_start3A_35 = arith.constant 0 : i32
      %dma_start3A_36 = tpu.memref_slice %arg7[%dma_start3A_34, %dma_start3A_35] : memref<1000x32xf32, #tpu.memory_space<hbm>> -> memref<1000x32xf32, #tpu.memory_space<hbm>>
      tpu.enqueue_indirect_dma source(%dma_start3A_36 : memref<1000x32xf32, #tpu.memory_space<hbm>>) target(%arg22 : memref<128x32xf32, #tpu.memory_space<vmem>>) offsets(%arg17 : memref<128xi32, #tpu.memory_space<vmem>>) semaphore(%arg25 : memref<!tpu.dma_semaphore, #tpu.memory_space<semaphore_mem>>)
      %dma_wait3A_37 = arith.constant 0 : i32
      %dma_wait3A_38 = arith.constant 0 : i32
      %dma_wait3A_39 = tpu.memref_slice %arg7[%dma_wait3A_37, %dma_wait3A_38] : memref<1000x32xf32, #tpu.memory_space<hbm>> -> memref<1000x32xf32, #tpu.memory_space<hbm>>
      tpu.wait_indirect_dma semaphore(%arg25 : memref<!tpu.dma_semaphore, #tpu.memory_space<semaphore_mem>>) src(%dma_wait3A_39 : memref<1000x32xf32, #tpu.memory_space<hbm>>) dst(%arg22 : memref<128x32xf32, #tpu.memory_space<vmem>>)
      "tpu.region"() ({
        %run_scoped3A = tpu.sem_alloc : memref<!tpu.dma_semaphore, #tpu.memory_space<semaphore_mem>>
        %dma_start3A_52 = arith.constant 0 : i32
        %dma_start3A_53 = tpu.memref_slice %arg14[%add3A_11, %dma_start3A_52] : memref<204800x32xf32, #tpu.memory_space<hbm>> -> memref<128x32xf32, #tpu.memory_space<hbm>>
        %dma_start3A_54 = arith.constant 0 : i32
        %dma_start3A_55 = tpu.memref_slice %arg14[%add3A_11, %dma_start3A_54] : memref<204800x32xf32, #tpu.memory_space<hbm>> -> memref<128x32xf32, #tpu.memory_space<hbm>>
        tpu.enqueue_dma source(%arg22 : memref<128x32xf32, #tpu.memory_space<vmem>>) target(%dma_start3A_55 : memref<128x32xf32, #tpu.memory_space<hbm>>) target_semaphore(%run_scoped3A : memref<!tpu.dma_semaphore, #tpu.memory_space<semaphore_mem>>)
        %dma_wait3A_56 = arith.constant 0 : i32
        %dma_wait3A_57 = tpu.memref_slice %arg14[%add3A_11, %dma_wait3A_56] : memref<204800x32xf32, #tpu.memory_space<hbm>> -> memref<128x32xf32, #tpu.memory_space<hbm>>
        %dma_wait3A_58 = arith.constant 0 : i32
        %dma_wait3A_59 = tpu.memref_slice %arg14[%add3A_11, %dma_wait3A_58] : memref<204800x32xf32, #tpu.memory_space<hbm>> -> memref<128x32xf32, #tpu.memory_space<hbm>>
        tpu.wait_dma2 semaphore(%run_scoped3A : memref<!tpu.dma_semaphore, #tpu.memory_space<semaphore_mem>>) src(%arg22 : memref<128x32xf32, #tpu.memory_space<vmem>>) dst(%dma_wait3A_59 : memref<128x32xf32, #tpu.memory_space<hbm>>)
        tpu.yield
      }) : () -> ()
      %dma_start3A_40 = arith.constant 0 : i32
      %dma_start3A_41 = arith.constant 0 : i32
      %dma_start3A_42 = tpu.memref_slice %arg8[%dma_start3A_40, %dma_start3A_41] : memref<1000x32xf32, #tpu.memory_space<hbm>> -> memref<1000x32xf32, #tpu.memory_space<hbm>>
      tpu.enqueue_indirect_dma source(%dma_start3A_42 : memref<1000x32xf32, #tpu.memory_space<hbm>>) target(%arg23 : memref<128x32xf32, #tpu.memory_space<vmem>>) offsets(%arg17 : memref<128xi32, #tpu.memory_space<vmem>>) semaphore(%arg25 : memref<!tpu.dma_semaphore, #tpu.memory_space<semaphore_mem>>)
      %dma_wait3A_43 = arith.constant 0 : i32
      %dma_wait3A_44 = arith.constant 0 : i32
      %dma_wait3A_45 = tpu.memref_slice %arg8[%dma_wait3A_43, %dma_wait3A_44] : memref<1000x32xf32, #tpu.memory_space<hbm>> -> memref<1000x32xf32, #tpu.memory_space<hbm>>
      tpu.wait_indirect_dma semaphore(%arg25 : memref<!tpu.dma_semaphore, #tpu.memory_space<semaphore_mem>>) src(%dma_wait3A_45 : memref<1000x32xf32, #tpu.memory_space<hbm>>) dst(%arg23 : memref<128x32xf32, #tpu.memory_space<vmem>>)
      "tpu.region"() ({
        %run_scoped3A = tpu.sem_alloc : memref<!tpu.dma_semaphore, #tpu.memory_space<semaphore_mem>>
        %dma_start3A_52 = arith.constant 0 : i32
        %dma_start3A_53 = tpu.memref_slice %arg15[%add3A_11, %dma_start3A_52] : memref<204800x32xf32, #tpu.memory_space<hbm>> -> memref<128x32xf32, #tpu.memory_space<hbm>>
        %dma_start3A_54 = arith.constant 0 : i32
        %dma_start3A_55 = tpu.memref_slice %arg15[%add3A_11, %dma_start3A_54] : memref<204800x32xf32, #tpu.memory_space<hbm>> -> memref<128x32xf32, #tpu.memory_space<hbm>>
        tpu.enqueue_dma source(%arg23 : memref<128x32xf32, #tpu.memory_space<vmem>>) target(%dma_start3A_55 : memref<128x32xf32, #tpu.memory_space<hbm>>) target_semaphore(%run_scoped3A : memref<!tpu.dma_semaphore, #tpu.memory_space<semaphore_mem>>)
        %dma_wait3A_56 = arith.constant 0 : i32
        %dma_wait3A_57 = tpu.memref_slice %arg15[%add3A_11, %dma_wait3A_56] : memref<204800x32xf32, #tpu.memory_space<hbm>> -> memref<128x32xf32, #tpu.memory_space<hbm>>
        %dma_wait3A_58 = arith.constant 0 : i32
        %dma_wait3A_59 = tpu.memref_slice %arg15[%add3A_11, %dma_wait3A_58] : memref<204800x32xf32, #tpu.memory_space<hbm>> -> memref<128x32xf32, #tpu.memory_space<hbm>>
        tpu.wait_dma2 semaphore(%run_scoped3A : memref<!tpu.dma_semaphore, #tpu.memory_space<semaphore_mem>>) src(%arg23 : memref<128x32xf32, #tpu.memory_space<vmem>>) dst(%dma_wait3A_59 : memref<128x32xf32, #tpu.memory_space<hbm>>)
        tpu.yield
      }) : () -> ()
      %dma_start3A_46 = arith.constant 0 : i32
      %dma_start3A_47 = arith.constant 0 : i32
      %dma_start3A_48 = tpu.memref_slice %arg9[%dma_start3A_46, %dma_start3A_47] : memref<1000x32xf32, #tpu.memory_space<hbm>> -> memref<1000x32xf32, #tpu.memory_space<hbm>>
      tpu.enqueue_indirect_dma source(%dma_start3A_48 : memref<1000x32xf32, #tpu.memory_space<hbm>>) target(%arg24 : memref<128x32xf32, #tpu.memory_space<vmem>>) offsets(%arg17 : memref<128xi32, #tpu.memory_space<vmem>>) semaphore(%arg25 : memref<!tpu.dma_semaphore, #tpu.memory_space<semaphore_mem>>)
      %dma_wait3A_49 = arith.constant 0 : i32
      %dma_wait3A_50 = arith.constant 0 : i32
      %dma_wait3A_51 = tpu.memref_slice %arg9[%dma_wait3A_49, %dma_wait3A_50] : memref<1000x32xf32, #tpu.memory_space<hbm>> -> memref<1000x32xf32, #tpu.memory_space<hbm>>
      tpu.wait_indirect_dma semaphore(%arg25 : memref<!tpu.dma_semaphore, #tpu.memory_space<semaphore_mem>>) src(%dma_wait3A_51 : memref<1000x32xf32, #tpu.memory_space<hbm>>) dst(%arg24 : memref<128x32xf32, #tpu.memory_space<vmem>>)
      "tpu.region"() ({
        %run_scoped3A = tpu.sem_alloc : memref<!tpu.dma_semaphore, #tpu.memory_space<semaphore_mem>>
        %dma_start3A_52 = arith.constant 0 : i32
        %dma_start3A_53 = tpu.memref_slice %arg16[%add3A_11, %dma_start3A_52] : memref<204800x32xf32, #tpu.memory_space<hbm>> -> memref<128x32xf32, #tpu.memory_space<hbm>>
        %dma_start3A_54 = arith.constant 0 : i32
        %dma_start3A_55 = tpu.memref_slice %arg16[%add3A_11, %dma_start3A_54] : memref<204800x32xf32, #tpu.memory_space<hbm>> -> memref<128x32xf32, #tpu.memory_space<hbm>>
        tpu.enqueue_dma source(%arg24 : memref<128x32xf32, #tpu.memory_space<vmem>>) target(%dma_start3A_55 : memref<128x32xf32, #tpu.memory_space<hbm>>) target_semaphore(%run_scoped3A : memref<!tpu.dma_semaphore, #tpu.memory_space<semaphore_mem>>)
        %dma_wait3A_56 = arith.constant 0 : i32
        %dma_wait3A_57 = tpu.memref_slice %arg16[%add3A_11, %dma_wait3A_56] : memref<204800x32xf32, #tpu.memory_space<hbm>> -> memref<128x32xf32, #tpu.memory_space<hbm>>
        %dma_wait3A_58 = arith.constant 0 : i32
        %dma_wait3A_59 = tpu.memref_slice %arg16[%add3A_11, %dma_wait3A_58] : memref<204800x32xf32, #tpu.memory_space<hbm>> -> memref<128x32xf32, #tpu.memory_space<hbm>>
        tpu.wait_dma2 semaphore(%run_scoped3A : memref<!tpu.dma_semaphore, #tpu.memory_space<semaphore_mem>>) src(%arg24 : memref<128x32xf32, #tpu.memory_space<vmem>>) dst(%dma_wait3A_59 : memref<128x32xf32, #tpu.memory_space<hbm>>)
        tpu.yield
      }) : () -> ()
    }
    %scan3A_7 = arith.constant 50 : i32
    return
  }
}

module attributes {stable_mosaic.version = 14 : i64} {
  func.func @_act_body(%arg0: memref<1000x192xf32, #tpu.memory_space<vmem>>, %arg1: memref<1000x32xf32, #tpu.memory_space<vmem>>, %arg2: memref<1000x32xf32, #tpu.memory_space<vmem>>, %arg3: memref<1000x32xf32, #tpu.memory_space<vmem>>, %arg4: memref<1000x32xf32, #tpu.memory_space<vmem>>, %arg5: memref<1000x32xf32, #tpu.memory_space<vmem>>, %arg6: memref<1000x32xf32, #tpu.memory_space<vmem>>) attributes {dimension_semantics = [], scalar_prefetch = 0 : i64, scratch_operands = 0 : i64, tpu.core_type = #tpu.core_type<tc>} {
    %get3A = arith.constant 0 : index
    %get3A_0 = arith.constant 0 : index
    %get3A_1 = vector.load %arg0[%get3A, %get3A_0] : memref<1000x192xf32, #tpu.memory_space<vmem>>, vector<1000x192xf32>
    %slice3A = vector.extract_strided_slice %get3A_1 {offsets = [0, 0], sizes = [1000, 32], strides = [1, 1]} : vector<1000x192xf32> to vector<1000x32xf32>
    %custom_jvp_call3A = arith.constant 0.000000e+00 : f32
    %max3A = vector.broadcast %custom_jvp_call3A : f32 to vector<1000x32xf32>
    %max3A_2 = arith.maximumf %slice3A, %max3A : vector<1000x32xf32>
    %sub3A = vector.broadcast %custom_jvp_call3A : f32 to vector<1000x32xf32>
    %sub3A_3 = arith.subf %slice3A, %sub3A : vector<1000x32xf32>
    %ne3A = arith.cmpf one, %sub3A_3, %sub3A_3 : vector<1000x32xf32>
    %add3A = vector.broadcast %custom_jvp_call3A : f32 to vector<1000x32xf32>
    %add3A_4 = arith.addf %slice3A, %add3A : vector<1000x32xf32>
    %abs3A = math.absf %sub3A_3 : vector<1000x32xf32>
    %neg3A = arith.constant 0.000000e+00 : f32
    %neg3A_5 = vector.broadcast %neg3A : f32 to vector<1000x32xf32>
    %neg3A_6 = arith.subf %neg3A_5, %abs3A : vector<1000x32xf32>
    %exp3A = math.exp %neg3A_6 : vector<1000x32xf32>
    %log1p3A = math.log1p %exp3A : vector<1000x32xf32>
    %add3A_7 = arith.addf %max3A_2, %log1p3A : vector<1000x32xf32>
    %select_n3A = arith.select %ne3A, %add3A_4, %add3A_7 : vector<1000x32xi1>, vector<1000x32xf32>
    %swap3A = arith.constant 0 : index
    %swap3A_8 = arith.constant 0 : index
    %swap3A_9 = vector.load %arg1[%swap3A, %swap3A_8] : memref<1000x32xf32, #tpu.memory_space<vmem>>, vector<1000x32xf32>
    tpu.vector_store %arg1[%swap3A, %swap3A_8], %select_n3A {strides = array<i32>} : memref<1000x32xf32, #tpu.memory_space<vmem>>, vector<1000x32xf32>,
    %slice3A_10 = vector.extract_strided_slice %get3A_1 {offsets = [0, 32], sizes = [1000, 32], strides = [1, 1]} : vector<1000x192xf32> to vector<1000x32xf32>
    %custom_jvp_call3A_11 = arith.constant 0.000000e+00 : f32
    %max3A_12 = vector.broadcast %custom_jvp_call3A_11 : f32 to vector<1000x32xf32>
    %max3A_13 = arith.maximumf %slice3A_10, %max3A_12 : vector<1000x32xf32>
    %sub3A_14 = vector.broadcast %custom_jvp_call3A_11 : f32 to vector<1000x32xf32>
    %sub3A_15 = arith.subf %slice3A_10, %sub3A_14 : vector<1000x32xf32>
    %ne3A_16 = arith.cmpf one, %sub3A_15, %sub3A_15 : vector<1000x32xf32>
    %add3A_17 = vector.broadcast %custom_jvp_call3A_11 : f32 to vector<1000x32xf32>
    %add3A_18 = arith.addf %slice3A_10, %add3A_17 : vector<1000x32xf32>
    %abs3A_19 = math.absf %sub3A_15 : vector<1000x32xf32>
    %neg3A_20 = arith.constant 0.000000e+00 : f32
    %neg3A_21 = vector.broadcast %neg3A_20 : f32 to vector<1000x32xf32>
    %neg3A_22 = arith.subf %neg3A_21, %abs3A_19 : vector<1000x32xf32>
    %exp3A_23 = math.exp %neg3A_22 : vector<1000x32xf32>
    %log1p3A_24 = math.log1p %exp3A_23 : vector<1000x32xf32>
    %add3A_25 = arith.addf %max3A_13, %log1p3A_24 : vector<1000x32xf32>
    %select_n3A_26 = arith.select %ne3A_16, %add3A_18, %add3A_25 : vector<1000x32xi1>, vector<1000x32xf32>
    %swap3A_27 = arith.constant 0 : index
    %swap3A_28 = arith.constant 0 : index
    %swap3A_29 = vector.load %arg2[%swap3A_27, %swap3A_28] : memref<1000x32xf32, #tpu.memory_space<vmem>>, vector<1000x32xf32>
    tpu.vector_store %arg2[%swap3A_27, %swap3A_28], %select_n3A_26 {strides = array<i32>} : memref<1000x32xf32, #tpu.memory_space<vmem>>, vector<1000x32xf32>,
    %slice3A_30 = vector.extract_strided_slice %get3A_1 {offsets = [0, 64], sizes = [1000, 32], strides = [1, 1]} : vector<1000x192xf32> to vector<1000x32xf32>
    %logistic3A = arith.negf %slice3A_30 : vector<1000x32xf32>
    %logistic3A_31 = math.exp %logistic3A : vector<1000x32xf32>
    %logistic3A_32 = arith.constant 1.000000e+00 : f32
    %logistic3A_33 = vector.broadcast %logistic3A_32 : f32 to vector<1000x32xf32>
    %logistic3A_34 = arith.addf %logistic3A_33, %logistic3A_31 : vector<1000x32xf32>
    %logistic3A_35 = arith.divf %logistic3A_33, %logistic3A_34 : vector<1000x32xf32>
    %swap3A_36 = arith.constant 0 : index
    %swap3A_37 = arith.constant 0 : index
    %swap3A_38 = vector.load %arg3[%swap3A_36, %swap3A_37] : memref<1000x32xf32, #tpu.memory_space<vmem>>, vector<1000x32xf32>
    tpu.vector_store %arg3[%swap3A_36, %swap3A_37], %logistic3A_35 {strides = array<i32>} : memref<1000x32xf32, #tpu.memory_space<vmem>>, vector<1000x32xf32>,
    %slice3A_39 = vector.extract_strided_slice %get3A_1 {offsets = [0, 96], sizes = [1000, 32], strides = [1, 1]} : vector<1000x192xf32> to vector<1000x32xf32>
    %logistic3A_40 = arith.negf %slice3A_39 : vector<1000x32xf32>
    %logistic3A_41 = math.exp %logistic3A_40 : vector<1000x32xf32>
    %logistic3A_42 = arith.constant 1.000000e+00 : f32
    %logistic3A_43 = vector.broadcast %logistic3A_42 : f32 to vector<1000x32xf32>
    %logistic3A_44 = arith.addf %logistic3A_43, %logistic3A_41 : vector<1000x32xf32>
    %logistic3A_45 = arith.divf %logistic3A_43, %logistic3A_44 : vector<1000x32xf32>
    %swap3A_46 = arith.constant 0 : index
    %swap3A_47 = arith.constant 0 : index
    %swap3A_48 = vector.load %arg4[%swap3A_46, %swap3A_47] : memref<1000x32xf32, #tpu.memory_space<vmem>>, vector<1000x32xf32>
    tpu.vector_store %arg4[%swap3A_46, %swap3A_47], %logistic3A_45 {strides = array<i32>} : memref<1000x32xf32, #tpu.memory_space<vmem>>, vector<1000x32xf32>,
    %slice3A_49 = vector.extract_strided_slice %get3A_1 {offsets = [0, 128], sizes = [1000, 32], strides = [1, 1]} : vector<1000x192xf32> to vector<1000x32xf32>
    %logistic3A_50 = arith.negf %slice3A_49 : vector<1000x32xf32>
    %logistic3A_51 = math.exp %logistic3A_50 : vector<1000x32xf32>
    %logistic3A_52 = arith.constant 1.000000e+00 : f32
    %logistic3A_53 = vector.broadcast %logistic3A_52 : f32 to vector<1000x32xf32>
    %logistic3A_54 = arith.addf %logistic3A_53, %logistic3A_51 : vector<1000x32xf32>
    %logistic3A_55 = arith.divf %logistic3A_53, %logistic3A_54 : vector<1000x32xf32>
    %swap3A_56 = arith.constant 0 : index
    %swap3A_57 = arith.constant 0 : index
    %swap3A_58 = vector.load %arg5[%swap3A_56, %swap3A_57] : memref<1000x32xf32, #tpu.memory_space<vmem>>, vector<1000x32xf32>
    tpu.vector_store %arg5[%swap3A_56, %swap3A_57], %logistic3A_55 {strides = array<i32>} : memref<1000x32xf32, #tpu.memory_space<vmem>>, vector<1000x32xf32>,
    %slice3A_59 = vector.extract_strided_slice %get3A_1 {offsets = [0, 160], sizes = [1000, 32], strides = [1, 1]} : vector<1000x192xf32> to vector<1000x32xf32>
    %logistic3A_60 = arith.negf %slice3A_59 : vector<1000x32xf32>
    %logistic3A_61 = math.exp %logistic3A_60 : vector<1000x32xf32>
    %logistic3A_62 = arith.constant 1.000000e+00 : f32
    %logistic3A_63 = vector.broadcast %logistic3A_62 : f32 to vector<1000x32xf32>
    %logistic3A_64 = arith.addf %logistic3A_63, %logistic3A_61 : vector<1000x32xf32>
    %logistic3A_65 = arith.divf %logistic3A_63, %logistic3A_64 : vector<1000x32xf32>
    %swap3A_66 = arith.constant 0 : index
    %swap3A_67 = arith.constant 0 : index
    %swap3A_68 = vector.load %arg6[%swap3A_66, %swap3A_67] : memref<1000x32xf32, #tpu.memory_space<vmem>>, vector<1000x32xf32>
    tpu.vector_store %arg6[%swap3A_66, %swap3A_67], %logistic3A_65 {strides = array<i32>} : memref<1000x32xf32, #tpu.memory_space<vmem>>, vector<1000x32xf32>,
    return
  }
}

</mosaic_0001>

<sc_bundles>
// kernel: kernel.4.cloned.1.call-start
scs
__scs_entry_jumppad:
0x0: {  	(pc) =	sbr.rel $0x88, $3  }
0x1: {  	(tag) =	ssettag $0x0;
	lr =	simm.s32 $0x1  }
0x2: {  	[smem:$0x3F9F] =	sst lr;
	_ =	strace $0xD0000000  }
0x3: {  	_ = 	snop  }
0x4: {  	_ = 	snop  }
0x5: {  	_ = 	snop  }
0x6: {  	_ = 	snop  }
0x7: {  	_ = 	snop  }
__scs_overlays_trampoline_lowered:
0x8: {  	[smem:$0x3FAE] =	sst s0  }
0x9: {  	[smem:$0x3FAF] =	sst s1  }
0xa: {  	[smem:$0x3FB0] =	sst s2  }
0xb: {  	[smem:$0x3FB1] =	sst s3  }
0xc: {  	[smem:$0x3FB2] =	sst s4  }
0xd: {  	[smem:$0x3FB3] =	sst s5  }
0xe: {  	[smem:$0x3FB4] =	sst s6  }
0xf: {  	[smem:$0x3FB5] =	sst s7  }
0x10: {  	[smem:$0x3FB6] =	sst s8  }
0x11: {  	[smem:$0x3FB7] =	sst s9;
	s0 =	simm.s32 @!p0 $0x0  }
0x12: {  	s1 =	sld [smem:$0x3F9D];
	s0 =	simm.s32 @p0 $0x1  }
0x13: {  	[smem:$0x3FB8] =	sst s0;
	s0 =	simm.s32 @!p1 $0x0  }
0x14: {  	s2 =	sld [smem:$0x3F9C];
	s0 =	simm.s32 @p1 $0x1  }
0x15: {  	[smem:$0x3FB9] =	sst s0;
	s0 =	simm.s32 @!p2 $0x0  }
0x16: {  	s3 =	sld [smem:$0x3FDB];
	s0 =	simm.s32 @p2 $0x1  }
0x17: {  	s4 =	simm.s32 $0x1BF5;
	[smem:$0x3FBB] =	sst s0  }
0x18: {  	s0 =	sld [smem:$0x3F9E];
	_ =	swait.ge [sflag:s4], $0x0  }
0x19: {  	s7 =	sld [smem:$0x3F9F]  }
0x1a: {  	s8 =	sadd.s32 $0xFFFFE003, lr  }
0x1b: {  	s9 =	sadd.s32 $0xFFFFFEF7, lr;
	s5 =	simm.s32 $0xFFFFFFFF;
	p2 =	slt.u32 s8, $0xFFFFF086  }
0x1c: {  	p1 =	slt.u32 s9, $0xF7A;
	s5 =	simm.s32 @!p2 $0x0  }
0x1d: {  	s5 =	simm.s32 @p1 $0x1;
	p0 =	seq.s32 s7, s2  }
0x1e: {  	s7 =	smul.u32 @!p0 $0xF7A, s2;
	p2 =	seq.s32 @!p0 s5, $0x0  }
0x1f: {  	s9 =	smul.u32 $0xF7A, s1;
	s8 =	simm.s32 @!p0 $0x1BF5;
	p2 =	por !p2, p0  }
0x20: {  	[sflag:s8] =	ssyncset.s32 @!p0 $0xFFFFF086;
	s6 =	sadd.s32 @!p0 s3, s7;
	s7 =	simm.s32 @!p0 $0x108  }
0x21: {  	s3 =	sadd.s32 s3, s9;
	s6 =	sadd.s32 @!p0 $0x88, s6;
	s7 =	simm.s32 @p2 $0x1082  }
0x22: {  	[simem:s7], [sflag:s8] =	dma.local @!p0 [hbm:s6], $0xF7A  }
0x23: {  	s9 =	sor.u32 $0xD0000000, s2;
	s6 =	simm.s32 $0x108;
	_ =	swait.ge @!p0 [sflag:s8], $0x0  }
0x24: {  	s3 =	sadd.s32 $0x88, s3;
	s6 =	simm.s32 @!p1 $0x1082;
	[sflag:s4] =	ssyncset.s32 $0xFFFFF086  }
0x25: {  	[simem:s6], [sflag:s4] =	dma.local [hbm:s3], $0xF7A  }
0x26: {  	[smem:$0x3F9F] =	sst s1;
	(tag) =	ssettag s2;
	_ =	strace s9  }
0x27: {  	s1 =	sld [smem:$0x3FAF]  }
0x28: {  	s2 =	sld [smem:$0x3FB0]  }
0x29: {  	s4 =	sld [smem:$0x3FB2]  }
0x2a: {  	p0 =	seq.s32 s5, $0x0;
	s5 =	sld [smem:$0x3FB3]  }
0x2b: {  	s6 =	sld [smem:$0x3FB4]  }
0x2c: {  	s7 =	sld [smem:$0x3FB5]  }
0x2d: {  	s3 =	simm.s32 $0x108;
	s8 =	sld [smem:$0x3FB6]  }
0x2e: {  	s3 =	simm.s32 @!p0 $0x1082;
	s9 =	sld [smem:$0x3FB7]  }
0x2f: {  	lr =	sadd.s32 s0, s3;
	s0 =	sld [smem:$0x3FAE]  }
0x30: {  	s3 =	sld [smem:$0x3FB1]  }
0x31: {  	[smem:$0x3FBA] =	sst s10  }
0x32: {  	s10 =	sld [smem:$0x3FB8];
	_ =	sdelay $0x3  }
0x33: {  	p0 =	seq.s32 s10, $0x1;
	s10 =	sld [smem:$0x3FBA];
	_ =	sdelay $0x3  }
0x34: {  	[smem:$0x3FBA] =	sst s10  }
0x35: {  	s10 =	sld [smem:$0x3FB9];
	_ =	sdelay $0x3  }
0x36: {  	p1 =	seq.s32 s10, $0x1;
	s10 =	sld [smem:$0x3FBA];
	_ =	sdelay $0x3  }
0x37: {  	[smem:$0x3FBA] =	sst s10  }
0x38: {  	s10 =	sld [smem:$0x3FBB]  }
0x39: {  	_ = 	snop;
	(pc) =	sbr.ind lr, $3  }
0x3a: {  	_ = 	snop  }
0x3b: {  	_ = 	snop  }
0x3c: {  	p2 =	seq.s32 s10, $0x1;
	s10 =	sld [smem:$0x3FBA]  }
0x3d: {  	_ =	shalt  }
0x3e: {  	_ =	shalt  }
0x3f: {  	_ =	shalt  }
0x40: {  	_ =	shalt  }
0x41: {  	_ =	shalt  }
0x42: {  	_ =	shalt  }
0x43: {  	_ =	shalt  }
0x44: {  	_ =	shalt  }
0x45: {  	_ =	shalt  }
0x46: {  	_ =	shalt  }
0x47: {  	_ =	shalt  }
0x48: {  	_ =	shalt  }
0x49: {  	_ =	shalt  }
0x4a: {  	_ =	shalt  }
0x4b: {  	_ =	shalt  }
0x4c: {  	_ =	shalt  }
0x4d: {  	_ =	shalt  }
0x4e: {  	_ =	shalt  }
0x4f: {  	_ =	shalt  }
0x50: {  	_ =	shalt  }
0x51: {  	_ =	shalt  }
0x52: {  	_ =	shalt  }
0x53: {  	_ =	shalt  }
0x54: {  	_ =	shalt  }
0x55: {  	_ =	shalt  }
0x56: {  	_ =	shalt  }
0x57: {  	_ =	shalt  }
0x58: {  	_ =	shalt  }
0x59: {  	_ =	shalt  }
0x5a: {  	_ =	shalt  }
0x5b: {  	_ =	shalt  }
0x5c: {  	_ =	shalt  }
0x5d: {  	_ =	shalt  }
0x5e: {  	_ =	shalt  }
0x5f: {  	_ =	shalt  }
0x60: {  	_ =	shalt  }
0x61: {  	_ =	shalt  }
0x62: {  	_ =	shalt  }
0x63: {  	_ =	shalt  }
0x64: {  	_ =	shalt  }
0x65: {  	_ =	shalt  }
0x66: {  	_ =	shalt  }
0x67: {  	_ =	shalt  }
0x68: {  	_ =	shalt  }
0x69: {  	_ =	shalt  }
0x6a: {  	_ =	shalt  }
0x6b: {  	_ =	shalt  }
0x6c: {  	_ =	shalt  }
0x6d: {  	_ =	shalt  }
0x6e: {  	_ =	shalt  }
0x6f: {  	_ =	shalt  }
0x70: {  	_ =	shalt  }
0x71: {  	_ =	shalt  }
0x72: {  	_ =	shalt  }
0x73: {  	_ =	shalt  }
0x74: {  	_ =	shalt  }
0x75: {  	_ =	shalt  }
0x76: {  	_ =	shalt  }
0x77: {  	_ =	shalt  }
0x78: {  	_ =	shalt  }
0x79: {  	_ =	shalt  }
0x7a: {  	_ =	shalt  }
0x7b: {  	_ =	shalt  }
0x7c: {  	_ =	shalt  }
0x7d: {  	_ =	shalt  }
0x7e: {  	_ =	shalt  }
0x7f: {  	_ =	shalt  }
0x80: {  	_ =	shalt  }
0x81: {  	_ =	shalt  }
0x82: {  	_ =	shalt  }
0x83: {  	_ =	shalt  }
0x84: {  	_ =	shalt  }
0x85: {  	_ =	shalt  }
0x86: {  	_ =	shalt  }
0x87: {  	_ =	shalt  }
.Lfunc_end0:
.L_simem_size_0:
called_computation.1_lowered:
.L_overlay_start_0:
0x88: {  	s2 =	sld [smem:$0x3FD9]  }
0x89: {  	s3 =	sld [smem:$0x3FFE];
	_ =	sdelay $0x1  }
0x8a: {  	s1 =	srdreg.scid  }
0x8b: {  	s0 =	sand.u32 $0x1, s1  }
0x8c: {  	s14 =	sshll.u32 s0, $0xA;
	s2 =	sadd.s32 s3, s2  }
0x8d: {  	s2 =	sadd.s32 s2, s14  }
0x8e: {  	[smem:$0x3FC6] =	sst s2  }
0x8f: {  	_ = 	snop  }
0x90: {  	s2 =	sld [smem:$0x3FD0];
	_ =	sdelay $0x2  }
0x91: {  	s15 =	simm.s32 $0xA;
	s4 =	simm.s32 $0x10  }
0x92: {  	[smem:s4], [sflag:s15] =	dma.local [hbm:s2], $0x1  }
0x93: {  	_ =	swait.eq [sflag:s15], $0x1  }
0x94: {  	s16 =	sld [smem:$0x10]  }
0x95: {  	s17 =	sld [smem:$0x11]  }
0x96: {  	s5 =	sld [smem:$0x12]  }
0x97: {  	s6 =	sld [smem:$0x13]  }
0x98: {  	s7 =	sld [smem:$0x14];
	[sflag:s15] =	ssyncset.done $0x0  }
0x99: {  	s8 =	sld [smem:$0x15];
	[sflag:s15] =	ssyncadd.s32 $0xFFFFFFFF  }
0x9a: {  	s18 =	sld [smem:$0x16];
	(tm) =	ssettm $0x1  }
0x9b: {  	s9 =	sld [smem:$0x3FFB];
	_ =	sdelay $0x3  }
0x9c: {  	_ =	strace s9  }
0x9d: {  	s9 =	sld [smem:$0x3FFC];
	_ =	sdelay $0x3  }
0x9e: {  	_ =	strace s9  }
0x9f: {  	s9 =	sld [smem:$0x3FFD];
	_ =	sdelay $0x3  }
0xa0: {  	_ =	strace s9  }
0xa1: {  	_ =	strace $0x8FFFFFFF  }
0xa2: {  	s19 =	sld [smem:$0x3FDB];
	_ =	sdelay $0x1  }
0xa3: {  	s10 =	simm.s32 $_scs_section_size  }
0xa4: {  	s11 =	simm.s32 $_size__tile_overlayer_lowered;
	s12 =	simm.s32 $_tile_overlayer_lowered  }
0xa5: {  	s22 =	simm.s32 $0x1BFF;
	s21 =	sshll.u32 s12, $0x1;
	s9 =	sadd.s32 s10, s19  }
0xa6: {  	s13 =	simm.s32 $0x0;
	s20 =	sshll.u32 s11, $0x1;
	s11 =	sadd.s32 s21, s9  }
0xa7: {  	[timem:s13], [sflag:s22] =	dma.local [hbm:s11], s20  }
0xa8: {  	_ =	swait.ge [sflag:s22], s20  }
0xa9: {  	s10 =	ssub.s32 $0x0, s20;
	[sflag:s22] =	ssyncset.done $0x0  }
0xaa: {  	[sflag:s22] =	ssyncadd.s32 s10;
	_ =	sdelay $0x1  }
0xab: {  	s23 =	simm.s32 $0x1B8B  }
0xac: {  	_ =	swait.ge [sflag:s23], $0x1  }
0xad: {  	[sflag:s23] =	ssyncset.done $0x0  }
0xae: {  	s25 =	simm.s32 $0x1B8E;
	s24 =	sld [smem:$0x3FFE];
	[sflag:s23] =	ssyncadd.s32 $0xFFFFFFFF  }
0xaf: {  	s26 =	simm.s32 $execute0_lowered;
	[smem:$0x3FD2] =	sst s25  }
0xb0: {  	s11 =	sshll.u32 s26, $0x1;
	_ =	strace $0x80000046;
	[dreg:$0x1] =	wrdreg $0xFFFFFFFF  }
0xb1: {  	s28 =	simm.s32 $_size_execute0_lowered;
	s9 =	sadd.s32 s9, s11;
	[dreg:$0x0] =	wrdreg $0x0  }
0xb2: {  	s11 =	sshll.u32 s28, $0x1;
	[dreg:$0x2] =	wrdreg s9  }
0xb3: {  	[dreg:$0x3] =	wrdreg s11  }
0xb4: {  	[dreg:$0x4] =	wrdreg $0xC0  }
0xb5: {  	_ =	task [dreg:s13], $0x5FFFF  }
0xb6: {  	[dreg:$0x1] =	wrdreg $0xFFFFFFFF  }
0xb7: {  	[dreg:$0x0] =	wrdreg $0x60  }
0xb8: {  	[dreg:$0x2] =	wrdreg s6  }
0xb9: {  	[dreg:$0x3] =	wrdreg s5  }
0xba: {  	[dreg:$0x4] =	wrdreg s17  }
0xbb: {  	[dreg:$0x5] =	wrdreg s24  }
0xbc: {  	[dreg:$0x6] =	wrdreg s16  }
0xbd: {  	[dreg:$0x7] =	wrdreg s18  }
0xbe: {  	[dreg:$0x8] =	wrdreg s8  }
0xbf: {  	[dreg:$0x9] =	wrdreg s7  }
0xc0: {  	[dreg:$0xa] =	wrdreg $0x9  }
0xc1: {  	_ =	task.clear_ibuf [dreg:s13], $0xBFFFF;
	_ =	strace $0x90000046  }
0xc2: {  	s29 =	simm.s32 $0x9;
	_ =	strace $0x80000048  }
0xc3: {  	_ =	swait.ge [sflag:s29], $0x1  }
0xc4: {  	[sflag:s29] =	ssyncadd.s32 $0xFFFFFFFF  }
0xc5: {  	_ =	strace $0x90000048  }
0xc6: {  	_ =	sfence  }
0xc7: {  	s30 =	sld [smem:$0x0];
	_ =	sdelay $0x2  }
0xc8: {  	s31 =	sshll.u32 s1, $0xD;
	s1 =	sshrl.u32 s1, $0x2  }
0xc9: {  	s3 =	sand.u32 $0x4000, s31;
	s1 =	sadd.s32 s1, s30  }
0xca: {  	s0 =	sor.u32 s3, s0;
	s1 =	sshll.u32 s1, $0x11  }
0xcb: {  	s0 =	sor.u32 s1, s0  }
0xcc: {  	s0 =	sadd.s32 $0x8F2B, s0  }
0xcd: {  	[sflag:s0] =	ssyncadd.remote.s32 $0x1  }
0xce: {  	_ =	sfence.sel $0xFFFF  }
0xcf: {  	[dreg:$0x0] =	wrdreg $0xFFFFFFFF;
	(pc) =	sbr.abs _section_cstart, $3  }
0xd0: {  	[dreg:$0x1] =	wrdreg $0xFFFFFFFF  }
0xd1: {  	_ =	task.clear_ibuf [dreg:s13], $0x2FFFF;
	_ =	strace $0x9FFFFFFF  }
0xd2: {  	(tm) =	ssettm $0x7FFFFFFF  }
0xd3: {  	_ =	shalt  }
tec
execute0_lowered:
.L_overlay_start_1:
0x0: {  	(tag) =	ssettag $0x1  }
0x1: {  	s15 =	rddreg [dreg:$0x0]  }
0x2: {  	s0 =	rddreg [dreg:$0x1]  }
0x3: {  	s26 =	rddreg [dreg:$0x2]  }
0x4: {  	s7 =	rddreg [dreg:$0x3]  }
0x5: {  	s8 =	rddreg [dreg:$0x4]  }
0x6: {  	s14 =	rddreg [dreg:$0x5]  }
0x7: {  	s13 =	rddreg [dreg:$0x6]  }
0x8: {  	s12 =	rddreg [dreg:$0x7]  }
0x9: {  	s1 =	simm.s32 $0x0;
	s4 =	srdreg.scid;
	s20 =	simm.s32 $0x7080  }
0xa: {  	s21 =	simm.s32 $0x8080;
	s22 =	simm.s32 $0x9080;
	[dreg:$0x9] =	wrdreg s0  }
0xb: {  	s23 =	simm.s32 $0xA080;
	s24 =	simm.s32 $0xB080;
	[dreg:$0xa] =	wrdreg s26  }
0xc: {  	s25 =	simm.s32 $0x0;
	s0 =	rddreg [dreg:$0x8];
	s10 =	sand.u32 $0x1, s4  }
0xd: {  	[smem:$0x7FF] =	sst s1;
	s2 =	sadd.s32 $0x1A00, s7;
	s18 =	smul.u32 $0x6400, s10  }
0xe: {  	_ =	strace $0x80000047;
	[dreg:$0xb] =	wrdreg s2;
	s29 =	smul.u32 $0x25800, s10  }
0xf: {  	s3 =	sadd.s32 $0x2A00, s7;
	s2 =	stileid.u32;
	s19 =	smul.u32 $0x1900, s10  }
0x10: {  	s4 =	sadd.s32 $0x3A00, s7;
	s9 =	ssub.s32 $0x2, s10;
	s16 =	smul.u32 $0xC800, s2  }
0x11: {  	s5 =	sadd.s32 $0x4A00, s7;
	s11 =	sshrl.u32 s9, $0x1;
	s17 =	smul.u32 $0x4B000, s2  }
0x12: {  	s6 =	sadd.s32 $0x5A00, s7;
	s30 =	smul.u32 $0x3200, s2;
	s9 =	ssub.s32 s9, s11  }
0x13: {  	s28 =	sadd.s32 s16, s7;
	s7 =	smax.u32 s9, $0x1;
	s8 =	sadd.s32 s17, s8  }
0x14: {  	s12 =	sadd.s32 s16, s12;
	s13 =	sadd.s32 s16, s13;
	s17 =	sadd.s32 s19, s30  }
0x15: {  	s14 =	sadd.s32 s16, s14;
	s16 =	simm.s32 $0x2;
	s19 =	simm.s32 $0x6080  }
0x16: {  	s11 =	sadd.s32 s18, s28;
	s8 =	sadd.s32 s29, s8;
	s12 =	sadd.s32 s18, s12  }
0x17: {  	s13 =	sadd.s32 s18, s13;
	s31 =	sshrl.u32 s17, $0x3;
	s14 =	sadd.s32 s18, s14  }
0x18: {  	s17 =	simm.s32 $0x80;
	s18 =	simm.s32 $0x1;
	s9 =	sadd.s32 $0x196A00, s11  }
0x19: {  	s10 =	sadd.s32 $0xCEA00, s11;
	s11 =	sadd.s32 $0x6A00, s11;
	s15 =	sadd.s32 s31, s15  }
.LBB2_1:
0x1a: {  	[tilespmem:s1], [sflag:$0x2] =	stream.linear.gather [hbm4b:s15+s1], $0x80, $0x38;
	[tilespmem:$0xC080] =	vst v63  }
0x1b: {  	_ =	swait.ge [sflag:s16], $0x80  }
0x1c: {  	[sflag:s16] =	ssyncset.done $0x0  }
0x1d: {  	s26 =	rddreg [dreg:$0x9];
	[sflag:s16] =	ssyncadd.s32 $0xFFFFFF80  }
0x1e: {  	[tilespmem:s17], [sflag:$0x1] =	stream.indirect.gather [hbm4b:s26+s17], $0xC0, s1, s17, $0xb8;
	[tilespmem:$0xC080] =	vst v63  }
0x1f: {  	_ =	swait.ge [sflag:s18], $0x6000  }
0x20: {  	[sflag:s18] =	ssyncset.done $0x0  }
0x21: {  	[sflag:s18] =	ssyncadd.s32 $0xFFFFA000  }
0x22: {  	[hbm4b:s8+s1] =	stream.linear.scatter [tilespmem:s17], [sflag:$0x2], $0x6000, $0x38;
	[tilespmem:$0xC080] =	vst v63  }
0x23: {  	_ =	swait.ge [sflag:s16], $0x6000  }
0x24: {  	[sflag:s16] =	ssyncset.done $0x0  }
0x25: {  	s30 =	rddreg [dreg:$0xa];
	[sflag:s16] =	ssyncadd.s32 $0xFFFFA000  }
0x26: {  	[tilespmem:s19], [sflag:$0x1] =	stream.indirect.gather [hbm4b:s30+s17], $0x20, s1, s17, $0xb8;
	[tilespmem:$0xC080] =	vst v63  }
0x27: {  	_ =	swait.ge [sflag:s18], $0x1000  }
0x28: {  	[sflag:s18] =	ssyncset.done $0x0  }
0x29: {  	s31 =	sadd.s32 $0x0, s14;
	[sflag:s18] =	ssyncadd.s32 $0xFFFFF000  }
0x2a: {  	[hbm4b:s31+s1] =	stream.linear.scatter [tilespmem:s19], [sflag:$0x2], $0x1000, $0x38;
	[tilespmem:$0xC080] =	vst v63  }
0x2b: {  	_ =	swait.ge [sflag:s16], $0x1000  }
0x2c: {  	[sflag:s16] =	ssyncset.done $0x0  }
0x2d: {  	s30 =	rddreg [dreg:$0xb];
	[sflag:s16] =	ssyncadd.s32 $0xFFFFF000  }
0x2e: {  	[tilespmem:s20], [sflag:$0x1] =	stream.indirect.gather [hbm4b:s30+s17], $0x20, s1, s17, $0xb8;
	[tilespmem:$0xC080] =	vst v63  }
0x2f: {  	_ =	swait.ge [sflag:s18], $0x1000  }
0x30: {  	[sflag:s18] =	ssyncset.done $0x0  }
0x31: {  	s31 =	sadd.s32 $0x0, s13;
	[sflag:s18] =	ssyncadd.s32 $0xFFFFF000  }
0x32: {  	[hbm4b:s31+s1] =	stream.linear.scatter [tilespmem:s20], [sflag:$0x2], $0x1000, $0x38;
	[tilespmem:$0xC080] =	vst v63  }
0x33: {  	_ =	swait.ge [sflag:s16], $0x1000  }
0x34: {  	[sflag:s16] =	ssyncset.done $0x0  }
0x35: {  	[sflag:s16] =	ssyncadd.s32 $0xFFFFF000  }
0x36: {  	[tilespmem:s21], [sflag:$0x1] =	stream.indirect.gather [hbm4b:s3+s17], $0x20, s1, s17, $0xb8;
	[tilespmem:$0xC080] =	vst v63  }
0x37: {  	_ =	swait.ge [sflag:s18], $0x1000  }
0x38: {  	[sflag:s18] =	ssyncset.done $0x0  }
0x39: {  	s30 =	sadd.s32 $0x0, s12;
	[sflag:s18] =	ssyncadd.s32 $0xFFFFF000  }
0x3a: {  	[hbm4b:s30+s1] =	stream.linear.scatter [tilespmem:s21], [sflag:$0x2], $0x1000, $0x38;
	[tilespmem:$0xC080] =	vst v63  }
0x3b: {  	_ =	swait.ge [sflag:s16], $0x1000  }
0x3c: {  	[sflag:s16] =	ssyncset.done $0x0  }
0x3d: {  	[sflag:s16] =	ssyncadd.s32 $0xFFFFF000  }
0x3e: {  	[tilespmem:s22], [sflag:$0x1] =	stream.indirect.gather [hbm4b:s4+s17], $0x20, s1, s17, $0xb8;
	[tilespmem:$0xC080] =	vst v63  }
0x3f: {  	_ =	swait.ge [sflag:s18], $0x1000  }
0x40: {  	[sflag:s18] =	ssyncset.done $0x0  }
0x41: {  	s31 =	sadd.s32 $0x0, s11;
	[sflag:s18] =	ssyncadd.s32 $0xFFFFF000  }
0x42: {  	[hbm4b:s31+s1] =	stream.linear.scatter [tilespmem:s22], [sflag:$0x2], $0x1000, $0x38;
	[tilespmem:$0xC080] =	vst v63  }
0x43: {  	_ =	swait.ge [sflag:s16], $0x1000  }
0x44: {  	[sflag:s16] =	ssyncset.done $0x0  }
0x45: {  	[sflag:s16] =	ssyncadd.s32 $0xFFFFF000  }
0x46: {  	[tilespmem:s23], [sflag:$0x1] =	stream.indirect.gather [hbm4b:s5+s17], $0x20, s1, s17, $0xb8;
	[tilespmem:$0xC080] =	vst v63  }
0x47: {  	_ =	swait.ge [sflag:s18], $0x1000  }
0x48: {  	[sflag:s18] =	ssyncset.done $0x0  }
0x49: {  	s30 =	sadd.s32 $0x0, s10;
	[sflag:s18] =	ssyncadd.s32 $0xFFFFF000  }
0x4a: {  	[hbm4b:s30+s1] =	stream.linear.scatter [tilespmem:s23], [sflag:$0x2], $0x1000, $0x38;
	[tilespmem:$0xC080] =	vst v63  }
0x4b: {  	_ =	swait.ge [sflag:s16], $0x1000  }
0x4c: {  	[sflag:s16] =	ssyncset.done $0x0  }
0x4d: {  	[sflag:s16] =	ssyncadd.s32 $0xFFFFF000  }
0x4e: {  	[tilespmem:s24], [sflag:$0x1] =	stream.indirect.gather [hbm4b:s6+s17], $0x20, s1, s17, $0xb8;
	[tilespmem:$0xC080] =	vst v63  }
0x4f: {  	_ =	swait.ge [sflag:s18], $0x1000  }
0x50: {  	[sflag:s18] =	ssyncset.done $0x0  }
0x51: {  	s31 =	sadd.s32 $0x0, s9;
	[sflag:s18] =	ssyncadd.s32 $0xFFFFF000  }
0x52: {  	[hbm4b:s31+s1] =	stream.linear.scatter [tilespmem:s24], [sflag:$0x2], $0x1000, $0x38;
	[tilespmem:$0xC080] =	vst v63  }
0x53: {  	s28 =	smov.u32 s8;
	_ =	swait.ge [sflag:s16], $0x1000  }
0x54: {  	s29 =	smov.u32 s15;
	s26 =	simm.s32 $0x200;
	[sflag:s16] =	ssyncset.done $0x0  }
.LBB2_2:
0x55: {  	[sflag:s16] =	ssyncadd.s32 $0xFFFFF000;
	s29 =	sadd.s32 $0x10, s29  }
0x56: {  	[tilespmem:s1], [sflag:$0x2] =	stream.linear.gather [hbm4b:s29+s1], $0x80, $0x38;
	[tilespmem:$0xC080] =	vst v63  }
0x57: {  	_ =	swait.ge [sflag:s16], $0x80  }
0x58: {  	[sflag:s16] =	ssyncset.done $0x0  }
0x59: {  	s31 =	rddreg [dreg:$0x9];
	[sflag:s16] =	ssyncadd.s32 $0xFFFFFF80  }
0x5a: {  	[tilespmem:s17], [sflag:$0x1] =	stream.indirect.gather [hbm4b:s31+s17], $0xC0, s1, s17, $0xb8;
	[tilespmem:$0xC080] =	vst v63  }
0x5b: {  	_ =	swait.ge [sflag:s18], $0x6000  }
0x5c: {  	[sflag:s18] =	ssyncset.done $0x0  }
0x5d: {  	s28 =	sadd.s32 $0xC00, s28;
	[sflag:s18] =	ssyncadd.s32 $0xFFFFA000  }
0x5e: {  	[hbm4b:s28+s1] =	stream.linear.scatter [tilespmem:s17], [sflag:$0x2], $0x6000, $0x38;
	[tilespmem:$0xC080] =	vst v63  }
0x5f: {  	_ =	swait.ge [sflag:s16], $0x6000  }
0x60: {  	[sflag:s16] =	ssyncset.done $0x0  }
0x61: {  	s31 =	rddreg [dreg:$0xa];
	[sflag:s16] =	ssyncadd.s32 $0xFFFFA000  }
0x62: {  	[tilespmem:s19], [sflag:$0x1] =	stream.indirect.gather [hbm4b:s31+s17], $0x20, s1, s17, $0xb8;
	[tilespmem:$0xC080] =	vst v63  }
0x63: {  	_ =	swait.ge [sflag:s18], $0x1000  }
0x64: {  	s30 =	smov.u32 s26;
	[sflag:s18] =	ssyncset.done $0x0  }
0x65: {  	s31 =	sadd.s32 s30, s14;
	[sflag:s18] =	ssyncadd.s32 $0xFFFFF000  }
0x66: {  	[hbm4b:s31+s1] =	stream.linear.scatter [tilespmem:s19], [sflag:$0x2], $0x1000, $0x38;
	[tilespmem:$0xC080] =	vst v63  }
0x67: {  	_ =	swait.ge [sflag:s16], $0x1000  }
0x68: {  	[sflag:s16] =	ssyncset.done $0x0  }
0x69: {  	s31 =	rddreg [dreg:$0xb];
	[sflag:s16] =	ssyncadd.s32 $0xFFFFF000  }
0x6a: {  	[tilespmem:s20], [sflag:$0x1] =	stream.indirect.gather [hbm4b:s31+s17], $0x20, s1, s17, $0xb8;
	[tilespmem:$0xC080] =	vst v63  }
0x6b: {  	_ =	swait.ge [sflag:s18], $0x1000  }
0x6c: {  	[sflag:s18] =	ssyncset.done $0x0  }
0x6d: {  	s31 =	sadd.s32 s30, s13;
	[sflag:s18] =	ssyncadd.s32 $0xFFFFF000  }
0x6e: {  	[hbm4b:s31+s1] =	stream.linear.scatter [tilespmem:s20], [sflag:$0x2], $0x1000, $0x38;
	[tilespmem:$0xC080] =	vst v63  }
0x6f: {  	_ =	swait.ge [sflag:s16], $0x1000  }
0x70: {  	[sflag:s16] =	ssyncset.done $0x0  }
0x71: {  	[sflag:s16] =	ssyncadd.s32 $0xFFFFF000  }
0x72: {  	[tilespmem:s21], [sflag:$0x1] =	stream.indirect.gather [hbm4b:s3+s17], $0x20, s1, s17, $0xb8;
	[tilespmem:$0xC080] =	vst v63  }
0x73: {  	_ =	swait.ge [sflag:s18], $0x1000  }
0x74: {  	[sflag:s18] =	ssyncset.done $0x0  }
0x75: {  	s31 =	sadd.s32 s30, s12;
	[sflag:s18] =	ssyncadd.s32 $0xFFFFF000  }
0x76: {  	[hbm4b:s31+s1] =	stream.linear.scatter [tilespmem:s21], [sflag:$0x2], $0x1000, $0x38;
	[tilespmem:$0xC080] =	vst v63  }
0x77: {  	_ =	swait.ge [sflag:s16], $0x1000  }
0x78: {  	[sflag:s16] =	ssyncset.done $0x0  }
0x79: {  	[sflag:s16] =	ssyncadd.s32 $0xFFFFF000  }
0x7a: {  	[tilespmem:s22], [sflag:$0x1] =	stream.indirect.gather [hbm4b:s4+s17], $0x20, s1, s17, $0xb8;
	[tilespmem:$0xC080] =	vst v63  }
0x7b: {  	_ =	swait.ge [sflag:s18], $0x1000  }
0x7c: {  	[sflag:s18] =	ssyncset.done $0x0  }
0x7d: {  	s31 =	sadd.s32 s30, s11;
	[sflag:s18] =	ssyncadd.s32 $0xFFFFF000  }
0x7e: {  	[hbm4b:s31+s1] =	stream.linear.scatter [tilespmem:s22], [sflag:$0x2], $0x1000, $0x38;
	[tilespmem:$0xC080] =	vst v63  }
0x7f: {  	_ =	swait.ge [sflag:s16], $0x1000  }
0x80: {  	[sflag:s16] =	ssyncset.done $0x0  }
0x81: {  	[sflag:s16] =	ssyncadd.s32 $0xFFFFF000  }
0x82: {  	[tilespmem:s23], [sflag:$0x1] =	stream.indirect.gather [hbm4b:s5+s17], $0x20, s1, s17, $0xb8;
	[tilespmem:$0xC080] =	vst v63  }
0x83: {  	_ =	swait.ge [sflag:s18], $0x1000  }
0x84: {  	[sflag:s18] =	ssyncset.done $0x0  }
0x85: {  	s31 =	sadd.s32 s30, s10;
	[sflag:s18] =	ssyncadd.s32 $0xFFFFF000  }
0x86: {  	[hbm4b:s31+s1] =	stream.linear.scatter [tilespmem:s23], [sflag:$0x2], $0x1000, $0x38;
	[tilespmem:$0xC080] =	vst v63  }
0x87: {  	_ =	swait.ge [sflag:s16], $0x1000  }
0x88: {  	[sflag:s16] =	ssyncset.done $0x0  }
0x89: {  	[sflag:s16] =	ssyncadd.s32 $0xFFFFF000  }
0x8a: {  	[tilespmem:s24], [sflag:$0x1] =	stream.indirect.gather [hbm4b:s6+s17], $0x20, s1, s17, $0xb8;
	[tilespmem:$0xC080] =	vst v63  }
0x8b: {  	p0 =	sne.s32 s26, $0x6200;
	_ =	swait.ge [sflag:s18], $0x1000  }
.Ltmp0:
0x8c: {  	[sflag:s18] =	ssyncset.done $0x0;
	(pc) =	sbr.rel @p0 .LBB2_2-.Ltmp0, $4  }
0x8d: {  	s30 =	sadd.s32 s30, s9;
	[sflag:s18] =	ssyncadd.s32 $0xFFFFF000  }
0x8e: {  	[hbm4b:s30+s1] =	stream.linear.scatter [tilespmem:s24], [sflag:$0x2], $0x1000, $0x38;
	[tilespmem:$0xC080] =	vst v63  }
0x8f: {  	_ =	swait.ge [sflag:s16], $0x1000  }
0x90: {  	s26 =	sadd.s32 $0x200, s26;
	[sflag:s16] =	ssyncset.done $0x0  }
0x91: {  	s25 =	sadd.s32 $0x1, s25  }
0x92: {  	p0 =	sne.s32 s25, s7  }
.Ltmp1:
0x93: {  	_ = 	snop;
	(pc) =	sbr.rel @p0 .LBB2_1-.Ltmp1, $2  }
0x94: {  	_ =	sdelay $0x2  }
0x95: {  	[sflag:s16] =	ssyncadd.s32 $0xFFFFF000  }
0x96: {  	_ =	sfence.sel $0x180000  }
0x97: {  	[bflag:$0x0] =	sbarrier.arrive $0xFFFF  }
0x98: {  	p0 =	sne.s32 s2, $0x0;
	_ =	strace $0x90000047  }
0x99: {  	s0 =	sadd.s32 @!p0 $0x100000, s0;
	[bflag:$0x2] =	sbarrier.arrive $0xFFFF  }
0x9a: {  	[sflag:s0] =	ssyncadd.tile.s32 @!p0 $0x1;
	_ =	shalt  }
.Lfunc_end2:
_tile_overlayer_lowered:
.L_overlay_start_2:
0x9b: {  	(tag) =	ssettag $0x2  }
0x9c: {  	s0 =	rddreg [dreg:$0x0];
	s2 =	stileid.u32  }
0x9d: {  	s1 =	rddreg [dreg:$0x1];
	p0 =	sne.s32 s2, $0x0  }
0x9e: {  	s3 =	rddreg [dreg:$0x2];
	[bflag:$0x3] =	sbarrier.arrive $0xFFFF;
	s2 =	simm.s32 @!p0 $0x1C02  }
0x9f: {  	[timem:s3], [sflag:s2] =	dma.local @!p0 [hbm:s0], s1  }
0xa0: {  	s0 =	simm.s32 @!p0 $0x2  }
0xa1: {  	_ =	swait.ge @!p0 [sflag:s0], s1  }
0xa2: {  	s1 =	ssub.s32 @!p0 $0x0, s1;
	[sflag:s0] =	ssyncset.done @!p0 $0x0  }
0xa3: {  	[sflag:s0] =	ssyncadd.s32 @!p0 s1  }
0xa4: {  	[bflag:$0x3] =	sbarrier.arrive $0xFFFF  }
0xa5: {  	_ =	shalt  }

// kernel: sparse-core-data-format-call.cloned.1.call-start
scs
called_computation_lowered:
.L_overlay_start_0:
0x0: {  	s2 =	sld [smem:$0x3FD9]  }
0x1: {  	s3 =	sld [smem:$0x3FFE];
	_ =	sdelay $0x1  }
0x2: {  	s1 =	srdreg.scid  }
0x3: {  	s0 =	sand.u32 $0x1, s1  }
0x4: {  	s15 =	sshll.u32 s0, $0xA;
	s2 =	sadd.s32 s3, s2  }
0x5: {  	s2 =	sadd.s32 s2, s15  }
0x6: {  	[smem:$0x3FC6] =	sst s2  }
0x7: {  	_ = 	snop  }
0x8: {  	s2 =	sld [smem:$0x3FD0];
	_ =	sdelay $0x2  }
0x9: {  	s16 =	simm.s32 $0xA;
	s4 =	simm.s32 $0x10  }
0xa: {  	[smem:s4], [sflag:s16] =	dma.local [hbm:s2], $0x1  }
0xb: {  	_ =	swait.eq [sflag:s16], $0x1  }
0xc: {  	[sflag:s16] =	ssyncset.done $0x0  }
0xd: {  	[sflag:s16] =	ssyncadd.s32 $0xFFFFFFFF  }
0xe: {  	s17 =	sld [smem:$0x10];
	(tm) =	ssettm $0x1  }
0xf: {  	s18 =	sld [smem:$0x3FFB];
	_ =	sdelay $0x3  }
0x10: {  	_ =	strace s18  }
0x11: {  	s3 =	sld [smem:$0x3FFC];
	_ =	sdelay $0x3  }
0x12: {  	_ =	strace s3  }
0x13: {  	s3 =	sld [smem:$0x3FFD];
	_ =	sdelay $0x3  }
0x14: {  	_ =	strace s3  }
0x15: {  	_ =	strace $0x8FFFFFFF  }
0x16: {  	s19 =	sld [smem:$0x3FDB];
	_ =	sdelay $0x1  }
0x17: {  	s20 =	simm.s32 $_scs_section_size  }
0x18: {  	s5 =	simm.s32 $_size__tile_overlayer_lowered;
	s6 =	simm.s32 $_tile_overlayer_lowered  }
0x19: {  	s23 =	simm.s32 $0x1BFF;
	s22 =	sshll.u32 s6, $0x1;
	s3 =	sadd.s32 s20, s19  }
0x1a: {  	s7 =	simm.s32 $0x0;
	s21 =	sshll.u32 s5, $0x1;
	s5 =	sadd.s32 s22, s3  }
0x1b: {  	[timem:s7], [sflag:s23] =	dma.local [hbm:s5], s21  }
0x1c: {  	_ =	swait.ge [sflag:s23], s21  }
0x1d: {  	s4 =	ssub.s32 $0x0, s21;
	[sflag:s23] =	ssyncset.done $0x0  }
0x1e: {  	[sflag:s23] =	ssyncadd.s32 s4;
	_ =	sdelay $0x1  }
0x1f: {  	s24 =	simm.s32 $0x1B8B  }
0x20: {  	_ =	swait.ge [sflag:s24], $0x1  }
0x21: {  	[sflag:s24] =	ssyncset.done $0x0  }
0x22: {  	s26 =	simm.s32 $0x1B8E;
	s25 =	sld [smem:$0x3FFE];
	[sflag:s24] =	ssyncadd.s32 $0xFFFFFFFF  }
0x23: {  	s27 =	simm.s32 $execute0_lowered;
	[smem:$0x3FD2] =	sst s26  }
0x24: {  	s5 =	sshll.u32 s27, $0x1;
	_ =	strace $0x80000049;
	[dreg:$0x1] =	wrdreg $0xFFFFFFFF  }
0x25: {  	s28 =	simm.s32 $_size_execute0_lowered;
	s3 =	sadd.s32 s3, s5;
	[dreg:$0x0] =	wrdreg $0x0  }
0x26: {  	s5 =	sshll.u32 s28, $0x1;
	[dreg:$0x2] =	wrdreg s3  }
0x27: {  	[dreg:$0x3] =	wrdreg s5  }
0x28: {  	[dreg:$0x4] =	wrdreg $0xC0  }
0x29: {  	_ =	task [dreg:s7], $0x5FFFF  }
0x2a: {  	[dreg:$0x1] =	wrdreg $0xFFFFFFFF  }
0x2b: {  	[dreg:$0x0] =	wrdreg $0x60  }
0x2c: {  	[dreg:$0x2] =	wrdreg s25  }
0x2d: {  	[dreg:$0x3] =	wrdreg s17  }
0x2e: {  	[dreg:$0x4] =	wrdreg $0x9  }
0x2f: {  	_ =	task.clear_ibuf [dreg:s7], $0x5FFFF;
	_ =	strace $0x90000049  }
0x30: {  	s29 =	simm.s32 $0x9;
	_ =	strace $0x8000004B  }
0x31: {  	_ =	swait.ge [sflag:s29], $0x1  }
0x32: {  	[sflag:s29] =	ssyncadd.s32 $0xFFFFFFFF  }
0x33: {  	_ =	strace $0x9000004B  }
0x34: {  	_ =	sfence  }
0x35: {  	s30 =	sld [smem:$0x0];
	_ =	sdelay $0x2  }
0x36: {  	s31 =	sshll.u32 s1, $0xD;
	s1 =	sshrl.u32 s1, $0x2  }
0x37: {  	s3 =	sand.u32 $0x4000, s31;
	s1 =	sadd.s32 s1, s30  }
0x38: {  	s0 =	sor.u32 s3, s0;
	s1 =	sshll.u32 s1, $0x11  }
0x39: {  	s0 =	sor.u32 s1, s0  }
0x3a: {  	s0 =	sadd.s32 $0x8F2B, s0  }
0x3b: {  	[sflag:s0] =	ssyncadd.remote.s32 $0x1  }
0x3c: {  	_ =	sfence.sel $0xFFFF  }
0x3d: {  	[dreg:$0x0] =	wrdreg $0xFFFFFFFF;
	(pc) =	sbr.abs _section_cstart, $3  }
0x3e: {  	[dreg:$0x1] =	wrdreg $0xFFFFFFFF  }
0x3f: {  	_ =	task.clear_ibuf [dreg:s7], $0x2FFFF;
	_ =	strace $0x9FFFFFFF  }
0x40: {  	(tm) =	ssettm $0x7FFFFFFF  }
0x41: {  	_ =	shalt  }
tec
execute0_lowered:
.L_overlay_start_1:
0x0: {  	(tag) =	ssettag $0x1  }
0x1: {  	s0 =	srdreg.scid;
	s6 =	rddreg [dreg:$0x0]  }
0x2: {  	s3 =	rddreg [dreg:$0x1];
	s1 =	sshll.u32 s0, $0x4  }
0x3: {  	s5 =	simm.s32 $0x1;
	s0 =	stileid.u32;
	s1 =	sand.u32 $0x10, s1  }
0x4: {  	s31 =	simm.s32 $0x2;
	s16 =	simm.s32 $0x0;
	s1 =	sor.u32 s0, s1  }
0x5: {  	s8 =	simm.s32 $0x8000;
	s18 =	simm.s32 $0x0;
	s2 =	sshll.u32 s1, $0x7  }
0x6: {  	s17 =	simm.s32 $0x0;
	s9 =	simm.s32 $0x0;
	s4 =	ssub.s32 $0x1000, s2  }
0x7: {  	s10 =	simm.s32 $0x0;
	s11 =	simm.s32 $0x0;
	s30 =	sand.u32 $0xF80, s4  }
0x8: {  	s12 =	simm.s32 $0x0;
	s13 =	simm.s32 $0x0;
	p0 =	sne.s32 s30, $0x0  }
.Ltmp0:
0x9: {  	s7 =	sshrl.u32 s4, $0xC;
	s5 =	simm.s32 @!p0 $0x0;
	(pc) =	sbr.rel .LBB1_1-.Ltmp0, $4  }
0xa: {  	s15 =	simm.s32 $0x0;
	s1 =	rddreg [dreg:$0x2];
	s5 =	sadd.s32 s5, s7  }
0xb: {  	_ =	strace $0x8000004A;
	s4 =	simm.s32 $0x1;
	s5 =	smul.u32 $0x64, s5  }
0xc: {  	s6 =	sadd.s32 $0x25EA00, s6;
	s14 =	smov.u32 s2;
	[sflag:s4] =	ssyncpa.u1 $0x0  }
0xd: {  	[sflag:s31] =	ssyncpa.u1 $0x0;
	p0 =	por $0x0, $0x0;
	s7 =	sor.u32 $0x1, s5  }
.LBB1_4:
0xe: {  	s23 =	sshra.s32 s23, $0x2;
	s30 =	sshll.u32 s9, $0xC  }
0xf: {  	p1 =	sgt.s32 s10, $0x31;
	s24 =	smov.u32 s10;
	s25 =	sshra.s32 s10, $0x1F  }
0x10: {  	s26 =	sshll.u32 s11, $0x3;
	s28 =	smov.u32 s11;
	s29 =	sshra.s32 s11, $0x1F  }
0x11: {  	s22 =	sadd.s32 s23, s22;
	s24 =	simm.s32 @!p1 $0x31;
	s25 =	sand.u32 s25, s10  }
0x12: {  	s23 =	sand.u32 $0xFFFF8000, s30;
	s27 =	sand.u32 $0xFFFFFC00, s26;
	p1 =	sgt.s32 s9, $0x40  }
0x13: {  	s31 =	sand.u32 s29, s11;
	s29 =	sshll.u32 s9, $0x7;
	s30 =	sshra.s32 s9, $0x1F  }
0x14: {  	[tilespmem:s21+$0x2040 ss:$0x81] =	vst.msk $0xffff, v4;
	s24 =	ssub.s32 s24, s25;
	s23 =	sadd.s32 s27, s23;
	s27 =	smov.u32 s9  }
0x15: {  	[tilespmem:s21+$0x2850 ss:$0x81] =	vst.msk $0xffff, v3;
	s29 =	sand.u32 $0x380, s29;
	s25 =	sadd.s32 $0xFFFFFFCF, s24;
	s27 =	simm.s32 @!p1 $0x40  }
0x16: {  	v5 =	vld [tilespmem:s20+$0xFFFFFFD0];
	[tilespmem:s21+$0x3060 ss:$0x81] =	vst.msk $0xffff, v2;
	p1 =	sgt.s32 s11, $0xF80;
	s23 =	sshrl.u32 s23, $0xC;
	s24 =	ssub.s32 $0x32, s24  }
0x17: {  	v58 =	vld [tilespmem:s20+$0xFFFFFFE0];
	[tilespmem:s21+$0x0 ss:$0x81] =	vst.msk $0xffff, v1;
	s28 =	simm.s32 @!p1 $0xF80;
	p1 =	sgt.s32 s25, $0x0;
	s21 =	smulhi.u32 $0x1555556, s23  }
0x18: {  	v59 =	vld [tilespmem:s20+$0xFFFFFFF0];
	s25 =	ssub.s32 s28, s31;
	s28 =	sand.u32 s30, s9;
	s24 =	simm.s32 @p1 $0x0  }
0x19: {  	v60 =	vld [tilespmem:s20+$0x0];
	s27 =	ssub.s32 s27, s28;
	s31 =	sadd.s32 $0xFFFFF080, s25;
	s25 =	ssub.s32 $0x1000, s25  }
0x1a: {  	v61 =	vld [tilespmem:s20+$0x10];
	[tilespmem:s22+$0x3870 ss:$0x81] =	vst.msk $0xffff, v0;
	s21 =	smul.u32 $0xC0, s21;
	s28 =	sand.u32 $0x7, s11;
	p1 =	sgt.s32 s31, $0x7F  }
0x1b: {  	v62 =	vld [tilespmem:s20+$0x20];
	[tilespmem:s22+$0x810 ss:$0x81] =	vst.msk $0xffff, v5;
	s30 =	sadd.s32 $0xFFFFFFC0, s27;
	s31 =	sand.u32 $0x78, s11;
	s25 =	simm.s32 @p1 $0x0  }
0x1c: {  	v63 =	vld [tilespmem:s20+$0xFFFFFFC0];
	[tilespmem:s22+$0x1020 ss:$0x81] =	vst.msk $0xffff, v58;
	p1 =	sgt.s32 s30, $0x7F;
	s30 =	sand.u32 $0xC00, s26;
	s24 =	smul.u32 s25, s24  }
0x1d: {  	[tilespmem:s22+$0x1830 ss:$0x81] =	vst.msk $0xffff, v59;
	s26 =	ssub.s32 $0xC0, s27;
	s20 =	sor.u32 s31, s30;
	s31 =	smul.u32 $0x18000, s10  }
0x1e: {  	[tilespmem:s22+$0x2040 ss:$0x81] =	vst.msk $0xffff, v60;
	s21 =	ssub.s32 s23, s21;
	s26 =	simm.s32 @p1 $0x0;
	s20 =	sor.u32 s29, s20  }
0x1f: {  	[tilespmem:s22+$0x2850 ss:$0x81] =	vst.msk $0xffff, v61;
	s26 =	smul.u32 s26, s24;
	s20 =	sshrl.u32 s20, $0x3;
	s27 =	sadd.s32 s3, s31  }
0x20: {  	[tilespmem:s22+$0x3060 ss:$0x81] =	vst.msk $0xffff, v62;
	s21 =	sshll.u32 s21, $0x9;
	s29 =	sshll.u32 s28, $0x12;
	s20 =	sadd.s32 s20, s27  }
0x21: {  	[tilespmem:s22+$0x0 ss:$0x81] =	vst.msk $0xffff, v63;
	s31 =	sor.u32 $0x400, s29;
	s30 =	sand.u32 $0x3FFFFFFF, s26;
	s20 =	sadd.s32 s21, s20  }
0x22: {  	[hbm4b:s20+s31] =	stream.strided.scatter [tilespmem:s19], [sflag:$0x2], s30, s8, s31, $0x20;
	[tilespmem:$0x10100] =	vst v63  }
.LBB1_5:
0x23: {  	p1 =	slt.u32 s15, $0x2  }
0x24: {  	p2 =	sgt.s32 @!p1 s18, $0x31  }
0x25: {  	s19 =	smov.u32 s18;
	s20 =	sshra.s32 @!p1 s18, $0x1F;
	p2 =	por !p2, p1  }
0x26: {  	s18 =	sand.u32 @!p1 s20, s18;
	s19 =	simm.s32 @p2 $0x31  }
0x27: {  	p3 =	sgt.s32 @!p1 s16, $0x40;
	s18 =	ssub.s32 @!p1 s19, s18  }
0x28: {  	p4 =	sgt.s32 @!p1 s17, $0xF80;
	s21 =	sshra.s32 @!p1 s17, $0x1F;
	s19 =	sadd.s32 @!p1 $0xFFFFFFCF, s18  }
0x29: {  	s20 =	smov.u32 s16;
	p2 =	sgt.s32 @!p1 s19, $0x0;
	s19 =	sshra.s32 @!p1 s16, $0x1F  }
0x2a: {  	p4 =	por !p4, p1;
	s16 =	sand.u32 @!p1 s19, s16;
	s19 =	smov.u32 s17  }
0x2b: {  	p3 =	por !p3, p1;
	s17 =	sand.u32 @!p1 s21, s17;
	s19 =	simm.s32 @p4 $0xF80  }
0x2c: {  	s20 =	simm.s32 @p3 $0x40;
	s18 =	ssub.s32 @!p1 $0x32, s18;
	s17 =	ssub.s32 @!p1 s19, s17  }
0x2d: {  	p2 =	por !p2, p1;
	s16 =	ssub.s32 @!p1 s20, s16;
	s20 =	sadd.s32 @!p1 $0xFFFFF080, s17  }
0x2e: {  	s18 =	simm.s32 @!p2 $0x0;
	p3 =	sgt.s32 @!p1 s20, $0x7F  }
0x2f: {  	s19 =	sadd.s32 @!p1 $0xFFFFFFC0, s16;
	s17 =	ssub.s32 @!p1 $0x1000, s17;
	p3 =	por !p3, p1  }
0x30: {  	p2 =	sgt.s32 @!p1 s19, $0x7F;
	s19 =	sadd.s32 $0x80, s12;
	s17 =	simm.s32 @!p3 $0x0  }
0x31: {  	p3 =	sgt.s32 s19, $0xBF;
	s17 =	smul.u32 @!p1 s17, s18;
	s18 =	simm.s32 $0x1  }
0x32: {  	s16 =	ssub.s32 @!p1 $0xC0, s16;
	p2 =	por !p2, p1;
	s18 =	simm.s32 @!p3 $0x0  }
0x33: {  	s21 =	smov.u32 s14;
	s16 =	simm.s32 @!p2 $0x0;
	s20 =	sadd.s32 s18, s13  }
0x34: {  	s16 =	smul.u32 @!p1 s16, s17;
	s17 =	sadd.s32 $0x1000, s14;
	p2 =	sgt.s32 s20, $0x31  }
0x35: {  	p0 =	por !p0, !p0;
	s22 =	simm.s32 @!p1 $0x2;
	s21 =	smov.u32 @p2 s17  }
0x36: {  	s19 =	simm.s32 @p3 $0x0;
	s20 =	simm.s32 @p2 $0x0;
	p2 =	sgt.s32 s21, $0xFFF  }
0x37: {  	s18 =	smov.u32 s10;
	s21 =	smov.u32 @p2 s2;
	p2 =	sne.s32 s15, s7  }
.Ltmp1:
0x38: {  	s10 =	smov.u32 s13;
	s16 =	sand.u32 @!p1 $0x3FFFFFFF, s16;
	(pc) =	sbr.rel @!p2 .LBB1_6-.Ltmp1, $4  }
0x39: {  	s17 =	smov.u32 s11;
	s11 =	smov.u32 s14;
	_ =	swait.ge @!p1 [sflag:s22], s16  }
0x3a: {  	s23 =	ssub.s32 @!p1 $0x0, s16;
	s16 =	smov.u32 s9;
	s9 =	smov.u32 s12  }
0x3b: {  	s12 =	smov.u32 s19;
	s13 =	smov.u32 s20;
	[sflag:s22] =	ssyncset.done @!p1 $0x0  }
0x3c: {  	s15 =	sadd.s32 $0x1, s15;
	[sflag:s22] =	ssyncadd.s32 @!p1 s23;
	s14 =	smov.u32 s21  }
.LBB1_1:
0x3d: {  	p1 =	sge.u32 s15, s5  }
0x3e: {  	s19 =	sshll.u32 @!p1 s13, $0x8;
	s20 =	sshll.u32 @!p1 s12, $0x3  }
0x3f: {  	s21 =	sshll.u32 @!p1 s13, $0x7;
	s19 =	sand.u32 @!p1 $0xFFFFF800, s19;
	s20 =	sand.u32 @!p1 $0xFFFFFC00, s20  }
0x40: {  	s19 =	sadd.s32 @!p1 s19, s20;
	s20 =	sand.u32 @!p1 $0x300, s21  }
0x41: {  	s19 =	sor.u32 @!p1 s20, s19  }
0x42: {  	s19 =	sshrl.u32 @!p1 s19, $0x8  }
0x43: {  	s31 =	sadd.s32 $0xFFFFFFFF, s15;
	s20 =	smulhi.u32 @!p1 $0x4924925, s19  }
0x44: {  	s22 =	sxor.u32 @!p1 $0xFFFFFFFF, s15;
	s23 =	sand.u32 @!p1 $0x78, s12;
	s24 =	smul.u32 @!p1 $0x700, s14  }
0x45: {  	s22 =	sshll.u32 @!p1 s22, $0xE;
	s21 =	sand.u32 @!p1 $0x80, s21;
	s20 =	smul.u32 @!p1 $0x38, s20  }
0x46: {  	s22 =	sand.u32 @!p1 $0x4000, s22;
	s21 =	sor.u32 @!p1 s23, s21;
	s23 =	sand.u32 @!p1 $0x7, s12  }
0x47: {  	s19 =	ssub.s32 @!p1 s19, s20;
	s20 =	sshrl.u32 @!p1 s21, $0x3;
	s21 =	sadd.s32 @!p1 s6, s24  }
0x48: {  	s19 =	sshll.u32 @!p1 s19, $0x5;
	s20 =	sadd.s32 @!p1 s20, s21;
	s21 =	sshll.u32 @!p1 s23, $0x12  }
0x49: {  	s19 =	sadd.s32 @!p1 s19, s20;
	s20 =	sor.u32 @!p1 $0x80, s21;
	s21 =	simm.s32 @!p1 $0x3800  }
0x4a: {  	[tilespmem:s22], [sflag:$0x1] =	stream.strided.gather @!p1 [hbm4b:s19+s20], $0x4000, s21, s20, $0x38;
	[tilespmem:$0x10100] =	vst v63  }
0x4b: {  	p1 =	sge.u32 s31, s5  }
.Ltmp2:
0x4c: {  	_ = 	snop;
	(pc) =	sbr.rel @p1 .LBB1_5-.Ltmp2, $1  }
0x4d: {  	_ =	sdelay $0x3  }
0x4e: {  	s19 =	simm.s32 $0x1  }
0x4f: {  	_ =	swait.ge [sflag:s4], $0x4000;
	s19 =	simm.s32 @!p0 $0x0  }
0x50: {  	[sflag:s4] =	ssyncset.done $0x0;
	s20 =	sshll.u32 s19, $0xE  }
0x51: {  	[sflag:s4] =	ssyncadd.s32 $0xFFFFC000;
	s20 =	sor.u32 $0x40, s20  }
0x52: {  	s19 =	smul.u32 $0x10200, s19;
	v0 =	vld [tilespmem:s20+$0x30]  }
0x53: {  	v1 =	vld [tilespmem:s20+$0xFFFFFFD0]  }
0x54: {  	s19 =	sshrl.u32 s19, $0x2;
	v5 =	vld [tilespmem:s20+$0xFFFFFFE0]  }
0x55: {  	v6 =	vld [tilespmem:s20+$0xFFFFFFF0];
	s22 =	sor.u32 $0x8000, s19  }
0x56: {  	s31 =	sand.u32 $0x1, s15;
	v4 =	vld [tilespmem:s20+$0x0];
	s21 =	sadd.s32 $0x0, s22  }
0x57: {  	v3 =	vld [tilespmem:s20+$0x10];
	s19 =	smul.u32 $0x10200, s31;
	[tilespmem:s21+$0x3870 ss:$0x81] =	vst.msk $0xffff, v0  }
0x58: {  	v2 =	vld [tilespmem:s20+$0x20];
	[tilespmem:s21+$0x810 ss:$0x81] =	vst.msk $0xffff, v1  }
0x59: {  	s19 =	sshrl.u32 s19, $0x2;
	v1 =	vld [tilespmem:s20+$0xFFFFFFC0];
	[tilespmem:s21+$0x1020 ss:$0x81] =	vst.msk $0xffff, v5;
	s20 =	sadd.s32 $0x80, s20  }
0x5a: {  	s23 =	simm.s32 $0x4;
	s24 =	simm.s32 $0x8;
	s19 =	sor.u32 $0x8000, s19;
	[tilespmem:s21+$0x1830 ss:$0x81] =	vst.msk $0xffff, v6;
	v0 =	vld [tilespmem:s20+$0x30]  }
.LBB1_3:
0x5b: {  	p1 =	sne.s32 s24, $0x1FC;
	v5 =	vld [tilespmem:s20+$0xFFFFFFD0];
	[tilespmem:s21+$0x2040 ss:$0x81] =	vst.msk $0xffff, v4  }
0x5c: {  	v6 =	vld [tilespmem:s20+$0xFFFFFFE0];
	[tilespmem:s21+$0x2850 ss:$0x81] =	vst.msk $0xffff, v3  }
0x5d: {  	s25 =	sshra.s32 s23, $0x2;
	s23 =	smov.u32 s24;
	v7 =	vld [tilespmem:s20+$0xFFFFFFF0];
	[tilespmem:s21+$0x3060 ss:$0x81] =	vst.msk $0xffff, v2  }
.Ltmp3:
0x5e: {  	v4 =	vld [tilespmem:s20+$0x0];
	[tilespmem:s21+$0x0 ss:$0x81] =	vst.msk $0xffff, v1;
	s21 =	sadd.s32 s25, s22;
	(pc) =	sbr.rel @p1 .LBB1_3-.Ltmp3, $4  }
0x5f: {  	v3 =	vld [tilespmem:s20+$0x10];
	[tilespmem:s21+$0x3870 ss:$0x81] =	vst.msk $0xffff, v0  }
0x60: {  	[tilespmem:s21+$0x810 ss:$0x81] =	vst.msk $0xffff, v5;
	v2 =	vld [tilespmem:s20+$0x20]  }
0x61: {  	v1 =	vld [tilespmem:s20+$0xFFFFFFC0];
	[tilespmem:s21+$0x1020 ss:$0x81] =	vst.msk $0xffff, v6;
	s20 =	sadd.s32 $0x80, s20  }
0x62: {  	s24 =	sadd.s32 $0x4, s24;
	v0 =	vld [tilespmem:s20+$0x30];
	[tilespmem:s21+$0x1830 ss:$0x81] =	vst.msk $0xffff, v7  }
.Ltmp4:
0x63: {  	_ = 	snop;
	(pc) =	sbr.rel .LBB1_4-.Ltmp4, $1  }
0x64: {  	_ =	sdelay $0x3  }
.LBB1_6:
0x65: {  	_ =	sfence.sel $0x180000  }
0x66: {  	s2 =	simm.s32 $0x1;
	[bflag:$0x0] =	sbarrier.arrive $0xFFFF  }
0x67: {  	s31 =	simm.s32 $0x2;
	[sflag:s2] =	ssyncpa.u1 $0x1  }
0x68: {  	[sflag:s31] =	ssyncpa.u1 $0x1  }
0x69: {  	p0 =	sne.s32 s0, $0x0;
	_ =	strace $0x9000004A  }
0x6a: {  	s0 =	sadd.s32 @!p0 $0x100000, s1;
	[bflag:$0x2] =	sbarrier.arrive $0xFFFF  }
0x6b: {  	[sflag:s0] =	ssyncadd.tile.s32 @!p0 $0x1;
	_ =	shalt  }
.Lfunc_end1:
_tile_overlayer_lowered:
.L_overlay_start_2:
0x6c: {  	(tag) =	ssettag $0x2  }
0x6d: {  	s0 =	rddreg [dreg:$0x0];
	s2 =	stileid.u32  }
0x6e: {  	s1 =	rddreg [dreg:$0x1];
	p0 =	sne.s32 s2, $0x0  }
0x6f: {  	s3 =	rddreg [dreg:$0x2];
	[bflag:$0x3] =	sbarrier.arrive $0xFFFF;
	s2 =	simm.s32 @!p0 $0x1C01  }
0x70: {  	[timem:s3], [sflag:s2] =	dma.local @!p0 [hbm:s0], s1  }
0x71: {  	s0 =	simm.s32 @!p0 $0x1  }
0x72: {  	_ =	swait.ge @!p0 [sflag:s0], s1  }
0x73: {  	s1 =	ssub.s32 @!p0 $0x0, s1;
	[sflag:s0] =	ssyncset.done @!p0 $0x0  }
0x74: {  	[sflag:s0] =	ssyncadd.s32 @!p0 s1  }
0x75: {  	[bflag:$0x3] =	sbarrier.arrive $0xFFFF  }
0x76: {  	_ =	shalt  }

</sc_bundles>
